<compile_context>
chip_gen: v7x
topology: tpu7x:2x2x1
jax: 0.10.2.dev20260603
libtpu: 0.0.44.dev20260713+nightly
codegen_flags: <defaults>
</compile_context>

<pallas_src>
import functools
import jax
import jax.numpy as jnp
from jax import lax
from jax.experimental import pallas as pl
from jax.experimental.pallas import tpu as pltpu
from jax.experimental.pallas import tpu_sc as plsc

N_USERS = 4096
NUM_SUBREDDITS = 20000
X_DIM = 64
SUB_REP_DIM = 3

K_TC = 15360
K_SC = NUM_SUBREDDITS - K_TC

BK = 512
NSTEPS = 30
KMAIN = NSTEPS * BK


def _tc_kernel(st_ref, rt_ref, o_ref):
    i = pl.program_id(0)
    st = st_ref[...].astype(jnp.bfloat16)
    rt = rt_ref[:, pl.ds(i * BK, BK)].astype(jnp.bfloat16)
    acc = lax.dot_general(
        rt, st,
        dimension_numbers=(((1,), (0,)), ((), ())),
        preferred_element_type=jnp.float32,
    )

    @pl.when(i == 0)
    def _():
        o_ref[...] = acc

    @pl.when(i != 0)
    def _():
        o_ref[...] = o_ref[...] + acc


def _tc_matmul(ST, RT):
    return pl.pallas_call(
        _tc_kernel,
        grid=(NSTEPS,),
        in_specs=[
            pl.BlockSpec((BK, N_USERS), lambda i: (i, 0)),
            pl.BlockSpec((SUB_REP_DIM, NUM_SUBREDDITS), lambda i: (0, 0)),
        ],
        out_specs=pl.BlockSpec((SUB_REP_DIM, N_USERS), lambda i: (0, 0)),
        out_shape=jax.ShapeDtypeStruct((SUB_REP_DIM, N_USERS), jnp.float32),
        compiler_params=pltpu.CompilerParams(
            dimension_semantics=("arbitrary",),
            vmem_limit_bytes=100 * 1024 * 1024,
        ),
    )(ST, RT)


NC = 2
NS = 16
NW = NC * NS
L = 16
UPT = N_USERS // NW
NV = UPT // L
CK = 160
NCHUNK = K_SC // CK
RE = SUB_REP_DIM * L


def _make_sc_matmul():
    mesh = plsc.VectorSubcoreMesh(core_axis_name="c", subcore_axis_name="s")

    @functools.partial(
        pl.kernel,
        mesh=mesh,
        out_type=jax.ShapeDtypeStruct((SUB_REP_DIM, N_USERS), jnp.float32),
        scratch_types=[
            pltpu.VMEM((2, CK, UPT), jnp.float32),
            pltpu.VMEM((2, CK, RE), jnp.float32),
            pltpu.VMEM((SUB_REP_DIM, UPT), jnp.float32),
            pltpu.SemaphoreType.DMA((2, 2)),
        ],
    )
    def sc_matmul(st_hbm, re_hbm, out_hbm, sbuf, rbuf, stage, sems):
        wid = lax.axis_index("s") * NC + lax.axis_index("c")
        c0 = wid * UPT

        def start(g, slot):
            pltpu.make_async_copy(
                st_hbm.at[pl.ds(K_TC + g * CK, CK), pl.ds(c0, UPT)],
                sbuf.at[slot],
                sems.at[slot, 0],
            ).start()
            pltpu.make_async_copy(
                re_hbm.at[pl.ds(K_TC + g * CK, CK), :],
                rbuf.at[slot],
                sems.at[slot, 1],
            ).start()

        def wait(g, slot):
            pltpu.make_async_copy(
                st_hbm.at[pl.ds(K_TC + g * CK, CK), pl.ds(c0, UPT)],
                sbuf.at[slot],
                sems.at[slot, 0],
            ).wait()
            pltpu.make_async_copy(
                re_hbm.at[pl.ds(K_TC + g * CK, CK), :],
                rbuf.at[slot],
                sems.at[slot, 1],
            ).wait()

        start(0, 0)
        start(1, 1)

        def chunk_body(g, accs):
            slot = lax.rem(g, 2)
            wait(g, slot)

            def k_body(k, accs):
                out = []
                for j in range(SUB_REP_DIM):
                    r_j = rbuf[slot, k, pl.ds(j * L, L)]
                    for v in range(NV):
                        s_v = sbuf[slot, k, pl.ds(v * L, L)]
                        out.append(accs[j * NV + v] + s_v * r_j)
                return tuple(out)

            accs = lax.fori_loop(0, CK, k_body, accs)

            @pl.when(g + 2 < NCHUNK)
            def _():
                start(g + 2, slot)

            return accs

        zero = jnp.zeros((L,), jnp.float32)
        accs = lax.fori_loop(
            0, NCHUNK, chunk_body, tuple([zero] * (SUB_REP_DIM * NV)))

        for j in range(SUB_REP_DIM):
            for v in range(NV):
                stage[j, pl.ds(v * L, L)] = accs[j * NV + v]
        pltpu.sync_copy(stage, out_hbm.at[:, pl.ds(c0, UPT)])

    return sc_matmul


_sc_matmul = _make_sc_matmul()


def kernel(x, S, R):
    ST = S.T
    RT = R.T
    re_exp = jnp.broadcast_to(
        R[:, :, None], (NUM_SUBREDDITS, SUB_REP_DIM, L)
    ).reshape(NUM_SUBREDDITS, RE)
    o_t_sc = _sc_matmul(ST, re_exp)
    o_t_tc = _tc_matmul(ST, RT)
    o_t = o_t_tc + o_t_sc
    return jnp.concatenate((x, o_t.T), axis=1)

# --- scband reference (transcript-rebuilt; emitter-appended) ---
"""Pipeline reference for scband-aggregate-subreddits-1769526526256 (READ-ONLY COPY).

The authoritative reference and input builder live on the scoring server;
editing this copy changes nothing except your own understanding.
"""

import jax, jax.numpy as jnp
import numpy as np

NUM_SUBREDDITS = 20000
SUB_REP_DIM = 3
N_USERS = 4096
X_DIM = 64

def setup_inputs(seed: int = 0) -> dict:
    key = jax.random.key(seed)
    k1, k2, k3 = jax.random.split(key, 3)
    x = jax.random.normal(k1, (N_USERS, X_DIM), dtype=jnp.float32)
    # activity matrix S: constructor arg (torch tensor in original); treated as a fixed buffer
    S = jax.random.uniform(k2, (N_USERS, NUM_SUBREDDITS), dtype=jnp.float32)
    # learned parameter R initialized with torch.rand -> uniform[0,1)
    R = jax.random.uniform(k3, (NUM_SUBREDDITS, SUB_REP_DIM), dtype=jnp.float32)
    return {"x": x, "S": S, "R": R}

def reference(x, S, R):
    sub_agg = jnp.matmul(S, R)
    h = jnp.concatenate((x, sub_agg), axis=1)
    return h

if __name__ == "__main__":
    import jax
    _d = setup_inputs()
    print(jax.jit(kernel)(*tuple(_d.values())))

</pallas_src>

<mosaic_0001>
#map = affine_map<(d0, d1) -> (0, 0)>
module attributes {stable_mosaic.version = 14 : i64} {
  func.func @sc_matmul(%arg0: i32, %arg1: i32, %arg2: memref<20000x4096xf32, #tpu.memory_space<hbm>>, %arg3: memref<20000x48xf32, #tpu.memory_space<hbm>>, %arg4: memref<3x4096xf32, #tpu.memory_space<hbm>>, %arg5: memref<2x160x128xf32, #tpu.memory_space<vmem>>, %arg6: memref<2x160x48xf32, #tpu.memory_space<vmem>>, %arg7: memref<3x128xf32, #tpu.memory_space<vmem>>, %arg8: memref<2x2x!tpu.dma_semaphore, #tpu.memory_space<semaphore_mem>>) attributes {dimension_semantics = [#tpu.dimension_semantics<core_parallel>, #tpu.dimension_semantics<subcore_parallel>], iteration_bounds = array<i64: 2, 16>, scalar_prefetch = 0 : i64, scratch_operands = 4 : i64, tpu.core_type = #tpu.core_type<sc_vector_subcore>, window_params = [{transform_indices = #map}, {transform_indices = #map}, {transform_indices = #map}]} {
    %mul3A = arith.constant 2 : i32
    %mul3A_0 = arith.muli %arg1, %mul3A : i32
    %add3A = arith.addi %mul3A_0, %arg0 : i32
    %mul3A_1 = arith.constant 128 : i32
    %mul3A_2 = arith.muli %add3A, %mul3A_1 : i32
    %dma_start3A = arith.constant 0 : i32
    %dma_start3A_3 = arith.constant 0 : i32
    %dma_start3A_4 = arith.constant 0 : i32
    %dma_start3A_5 = arith.constant 0 : i32
    %dma_start3A_6 = arith.constant 0 : i32
    %dma_start3A_7 = tpu.memref_slice %arg5[%dma_start3A, %dma_start3A_5, %dma_start3A_6] : memref<2x160x128xf32, #tpu.memory_space<vmem>> -> memref<1x160x128xf32, #tpu.memory_space<vmem>>
    %dma_start3A_8 = tpu.memref_squeeze %dma_start3A_7 : memref<1x160x128xf32, #tpu.memory_space<vmem>> -> memref<160x128xf32, #tpu.memory_space<vmem>>
    %dma_start3A_9 = arith.constant 15360 : i32
    %dma_start3A_10 = tpu.memref_slice %arg2[%dma_start3A_9, %mul3A_2] : memref<20000x4096xf32, #tpu.memory_space<hbm>> -> memref<160x128xf32, #tpu.memory_space<hbm>>
    %dma_start3A_11 = tpu.memref_slice %arg8[%dma_start3A_3, %dma_start3A_4] : memref<2x2x!tpu.dma_semaphore, #tpu.memory_space<semaphore_mem>> -> memref<1x1x!tpu.dma_semaphore, #tpu.memory_space<semaphore_mem>>
    %dma_start3A_12 = tpu.memref_squeeze %dma_start3A_11 : memref<1x1x!tpu.dma_semaphore, #tpu.memory_space<semaphore_mem>> -> memref<!tpu.dma_semaphore, #tpu.memory_space<semaphore_mem>>
    %dma_start3A_13 = arith.constant 0 : i32
    %dma_start3A_14 = arith.constant 0 : i32
    %dma_start3A_15 = tpu.memref_slice %arg5[%dma_start3A, %dma_start3A_13, %dma_start3A_14] : memref<2x160x128xf32, #tpu.memory_space<vmem>> -> memref<1x160x128xf32, #tpu.memory_space<vmem>>
    %dma_start3A_16 = tpu.memref_squeeze %dma_start3A_15 : memref<1x160x128xf32, #tpu.memory_space<vmem>> -> memref<160x128xf32, #tpu.memory_space<vmem>>
    %dma_start3A_17 = arith.constant 15360 : i32
    %dma_start3A_18 = tpu.memref_slice %arg2[%dma_start3A_17, %mul3A_2] : memref<20000x4096xf32, #tpu.memory_space<hbm>> -> memref<160x128xf32, #tpu.memory_space<hbm>>
    tpu.enqueue_dma source(%dma_start3A_18 : memref<160x128xf32, #tpu.memory_space<hbm>>) target(%dma_start3A_16 : memref<160x128xf32, #tpu.memory_space<vmem>>) target_semaphore(%dma_start3A_12 : memref<!tpu.dma_semaphore, #tpu.memory_space<semaphore_mem>>)
    %dma_start3A_19 = arith.constant 0 : i32
    %dma_start3A_20 = arith.constant 0 : i32
    %dma_start3A_21 = arith.constant 1 : i32
    %dma_start3A_22 = arith.constant 0 : i32
    %dma_start3A_23 = arith.constant 0 : i32
    %dma_start3A_24 = tpu.memref_slice %arg6[%dma_start3A_19, %dma_start3A_22, %dma_start3A_23] : memref<2x160x48xf32, #tpu.memory_space<vmem>> -> memref<1x160x48xf32, #tpu.memory_space<vmem>>
    %dma_start3A_25 = tpu.memref_squeeze %dma_start3A_24 : memref<1x160x48xf32, #tpu.memory_space<vmem>> -> memref<160x48xf32, #tpu.memory_space<vmem>>
    %dma_start3A_26 = arith.constant 15360 : i32
    %dma_start3A_27 = arith.constant 0 : i32
    %dma_start3A_28 = tpu.memref_slice %arg3[%dma_start3A_26, %dma_start3A_27] : memref<20000x48xf32, #tpu.memory_space<hbm>> -> memref<160x48xf32, #tpu.memory_space<hbm>>
    %dma_start3A_29 = tpu.memref_slice %arg8[%dma_start3A_20, %dma_start3A_21] : memref<2x2x!tpu.dma_semaphore, #tpu.memory_space<semaphore_mem>> -> memref<1x1x!tpu.dma_semaphore, #tpu.memory_space<semaphore_mem>>
    %dma_start3A_30 = tpu.memref_squeeze %dma_start3A_29 : memref<1x1x!tpu.dma_semaphore, #tpu.memory_space<semaphore_mem>> -> memref<!tpu.dma_semaphore, #tpu.memory_space<semaphore_mem>>
    %dma_start3A_31 = arith.constant 0 : i32
    %dma_start3A_32 = arith.constant 0 : i32
    %dma_start3A_33 = tpu.memref_slice %arg6[%dma_start3A_19, %dma_start3A_31, %dma_start3A_32] : memref<2x160x48xf32, #tpu.memory_space<vmem>> -> memref<1x160x48xf32, #tpu.memory_space<vmem>>
    %dma_start3A_34 = tpu.memref_squeeze %dma_start3A_33 : memref<1x160x48xf32, #tpu.memory_space<vmem>> -> memref<160x48xf32, #tpu.memory_space<vmem>>
    %dma_start3A_35 = arith.constant 15360 : i32
    %dma_start3A_36 = arith.constant 0 : i32
    %dma_start3A_37 = tpu.memref_slice %arg3[%dma_start3A_35, %dma_start3A_36] : memref<20000x48xf32, #tpu.memory_space<hbm>> -> memref<160x48xf32, #tpu.memory_space<hbm>>
    tpu.enqueue_dma source(%dma_start3A_37 : memref<160x48xf32, #tpu.memory_space<hbm>>) target(%dma_start3A_34 : memref<160x48xf32, #tpu.memory_space<vmem>>) target_semaphore(%dma_start3A_30 : memref<!tpu.dma_semaphore, #tpu.memory_space<semaphore_mem>>)
    %dma_start3A_38 = arith.constant 1 : i32
    %dma_start3A_39 = arith.constant 1 : i32
    %dma_start3A_40 = arith.constant 0 : i32
    %dma_start3A_41 = arith.constant 0 : i32
    %dma_start3A_42 = arith.constant 0 : i32
    %dma_start3A_43 = tpu.memref_slice %arg5[%dma_start3A_38, %dma_start3A_41, %dma_start3A_42] : memref<2x160x128xf32, #tpu.memory_space<vmem>> -> memref<1x160x128xf32, #tpu.memory_space<vmem>>
    %dma_start3A_44 = tpu.memref_squeeze %dma_start3A_43 : memref<1x160x128xf32, #tpu.memory_space<vmem>> -> memref<160x128xf32, #tpu.memory_space<vmem>>
    %dma_start3A_45 = arith.constant 15520 : i32
    %dma_start3A_46 = tpu.memref_slice %arg2[%dma_start3A_45, %mul3A_2] : memref<20000x4096xf32, #tpu.memory_space<hbm>> -> memref<160x128xf32, #tpu.memory_space<hbm>>
    %dma_start3A_47 = tpu.memref_slice %arg8[%dma_start3A_39, %dma_start3A_40] : memref<2x2x!tpu.dma_semaphore, #tpu.memory_space<semaphore_mem>> -> memref<1x1x!tpu.dma_semaphore, #tpu.memory_space<semaphore_mem>>
    %dma_start3A_48 = tpu.memref_squeeze %dma_start3A_47 : memref<1x1x!tpu.dma_semaphore, #tpu.memory_space<semaphore_mem>> -> memref<!tpu.dma_semaphore, #tpu.memory_space<semaphore_mem>>
    %dma_start3A_49 = arith.constant 0 : i32
    %dma_start3A_50 = arith.constant 0 : i32
    %dma_start3A_51 = tpu.memref_slice %arg5[%dma_start3A_38, %dma_start3A_49, %dma_start3A_50] : memref<2x160x128xf32, #tpu.memory_space<vmem>> -> memref<1x160x128xf32, #tpu.memory_space<vmem>>
    %dma_start3A_52 = tpu.memref_squeeze %dma_start3A_51 : memref<1x160x128xf32, #tpu.memory_space<vmem>> -> memref<160x128xf32, #tpu.memory_space<vmem>>
    %dma_start3A_53 = arith.constant 15520 : i32
    %dma_start3A_54 = tpu.memref_slice %arg2[%dma_start3A_53, %mul3A_2] : memref<20000x4096xf32, #tpu.memory_space<hbm>> -> memref<160x128xf32, #tpu.memory_space<hbm>>
    tpu.enqueue_dma source(%dma_start3A_54 : memref<160x128xf32, #tpu.memory_space<hbm>>) target(%dma_start3A_52 : memref<160x128xf32, #tpu.memory_space<vmem>>) target_semaphore(%dma_start3A_48 : memref<!tpu.dma_semaphore, #tpu.memory_space<semaphore_mem>>)
    %dma_start3A_55 = arith.constant 1 : i32
    %dma_start3A_56 = arith.constant 1 : i32
    %dma_start3A_57 = arith.constant 1 : i32
    %dma_start3A_58 = arith.constant 0 : i32
    %dma_start3A_59 = arith.constant 0 : i32
    %dma_start3A_60 = tpu.memref_slice %arg6[%dma_start3A_55, %dma_start3A_58, %dma_start3A_59] : memref<2x160x48xf32, #tpu.memory_space<vmem>> -> memref<1x160x48xf32, #tpu.memory_space<vmem>>
    %dma_start3A_61 = tpu.memref_squeeze %dma_start3A_60 : memref<1x160x48xf32, #tpu.memory_space<vmem>> -> memref<160x48xf32, #tpu.memory_space<vmem>>
    %dma_start3A_62 = arith.constant 15520 : i32
    %dma_start3A_63 = arith.constant 0 : i32
    %dma_start3A_64 = tpu.memref_slice %arg3[%dma_start3A_62, %dma_start3A_63] : memref<20000x48xf32, #tpu.memory_space<hbm>> -> memref<160x48xf32, #tpu.memory_space<hbm>>
    %dma_start3A_65 = tpu.memref_slice %arg8[%dma_start3A_56, %dma_start3A_57] : memref<2x2x!tpu.dma_semaphore, #tpu.memory_space<semaphore_mem>> -> memref<1x1x!tpu.dma_semaphore, #tpu.memory_space<semaphore_mem>>
    %dma_start3A_66 = tpu.memref_squeeze %dma_start3A_65 : memref<1x1x!tpu.dma_semaphore, #tpu.memory_space<semaphore_mem>> -> memref<!tpu.dma_semaphore, #tpu.memory_space<semaphore_mem>>
    %dma_start3A_67 = arith.constant 0 : i32
    %dma_start3A_68 = arith.constant 0 : i32
    %dma_start3A_69 = tpu.memref_slice %arg6[%dma_start3A_55, %dma_start3A_67, %dma_start3A_68] : memref<2x160x48xf32, #tpu.memory_space<vmem>> -> memref<1x160x48xf32, #tpu.memory_space<vmem>>
    %dma_start3A_70 = tpu.memref_squeeze %dma_start3A_69 : memref<1x160x48xf32, #tpu.memory_space<vmem>> -> memref<160x48xf32, #tpu.memory_space<vmem>>
    %dma_start3A_71 = arith.constant 15520 : i32
    %dma_start3A_72 = arith.constant 0 : i32
    %dma_start3A_73 = tpu.memref_slice %arg3[%dma_start3A_71, %dma_start3A_72] : memref<20000x48xf32, #tpu.memory_space<hbm>> -> memref<160x48xf32, #tpu.memory_space<hbm>>
    tpu.enqueue_dma source(%dma_start3A_73 : memref<160x48xf32, #tpu.memory_space<hbm>>) target(%dma_start3A_70 : memref<160x48xf32, #tpu.memory_space<vmem>>) target_semaphore(%dma_start3A_66 : memref<!tpu.dma_semaphore, #tpu.memory_space<semaphore_mem>>)
    %broadcast_in_dim3A = arith.constant 0.000000e+00 : f32
    %broadcast_in_dim3A_74 = vector.broadcast %broadcast_in_dim3A : f32 to vector<16xf32>
    %scan3A = arith.constant 0 : i32
    %scan3A_75 = arith.constant 29 : i32
    %scan3A_76 = arith.addi %scan3A, %scan3A_75 : i32
    %scan3A_77 = arith.constant 1 : i32
    %scan3A_78:24 = scf.for %scan3A_223 = %scan3A to %scan3A_76 step %scan3A_77 iter_args(%scan3A_224 = %broadcast_in_dim3A_74, %scan3A_225 = %broadcast_in_dim3A_74, %scan3A_226 = %broadcast_in_dim3A_74, %scan3A_227 = %broadcast_in_dim3A_74, %scan3A_228 = %broadcast_in_dim3A_74, %scan3A_229 = %broadcast_in_dim3A_74, %scan3A_230 = %broadcast_in_dim3A_74, %scan3A_231 = %broadcast_in_dim3A_74, %scan3A_232 = %broadcast_in_dim3A_74, %scan3A_233 = %broadcast_in_dim3A_74, %scan3A_234 = %broadcast_in_dim3A_74, %scan3A_235 = %broadcast_in_dim3A_74, %scan3A_236 = %broadcast_in_dim3A_74, %scan3A_237 = %broadcast_in_dim3A_74, %scan3A_238 = %broadcast_in_dim3A_74, %scan3A_239 = %broadcast_in_dim3A_74, %scan3A_240 = %broadcast_in_dim3A_74, %scan3A_241 = %broadcast_in_dim3A_74, %scan3A_242 = %broadcast_in_dim3A_74, %scan3A_243 = %broadcast_in_dim3A_74, %scan3A_244 = %broadcast_in_dim3A_74, %scan3A_245 = %broadcast_in_dim3A_74, %scan3A_246 = %broadcast_in_dim3A_74, %scan3A_247 = %broadcast_in_dim3A_74) -> (vector<16xf32>, vector<16xf32>, vector<16xf32>, vector<16xf32>, vector<16xf32>, vector<16xf32>, vector<16xf32>, vector<16xf32>, vector<16xf32>, vector<16xf32>, vector<16xf32>, vector<16xf32>, vector<16xf32>, vector<16xf32>, vector<16xf32>, vector<16xf32>, vector<16xf32>, vector<16xf32>, vector<16xf32>, vector<16xf32>, vector<16xf32>, vector<16xf32>, vector<16xf32>, vector<16xf32>)  : i32 {
      %rem3A = arith.constant 2 : i32
      %rem3A_248 = arith.remsi %scan3A_223, %rem3A : i32
      %mul3A_249 = arith.constant 160 : i32
      %mul3A_250 = arith.muli %scan3A_223, %mul3A_249 : i32
      %add3A_251 = arith.constant 15360 : i32
      %add3A_252 = arith.addi %add3A_251, %mul3A_250 : i32
      %dma_wait3A = arith.constant 0 : i32
      %dma_wait3A_253 = arith.constant 0 : i32
      %dma_wait3A_254 = arith.constant 0 : i32
      %dma_wait3A_255 = tpu.memref_slice %arg5[%rem3A_248, %dma_wait3A_253, %dma_wait3A_254] : memref<2x160x128xf32, #tpu.memory_space<vmem>> -> memref<1x160x128xf32, #tpu.memory_space<vmem>>
      %dma_wait3A_256 = tpu.memref_squeeze %dma_wait3A_255 : memref<1x160x128xf32, #tpu.memory_space<vmem>> -> memref<160x128xf32, #tpu.memory_space<vmem>>
      %dma_wait3A_257 = tpu.memref_slice %arg2[%add3A_252, %mul3A_2] : memref<20000x4096xf32, #tpu.memory_space<hbm>> -> memref<160x128xf32, #tpu.memory_space<hbm>>
      %dma_wait3A_258 = tpu.memref_slice %arg8[%rem3A_248, %dma_wait3A] : memref<2x2x!tpu.dma_semaphore, #tpu.memory_space<semaphore_mem>> -> memref<1x1x!tpu.dma_semaphore, #tpu.memory_space<semaphore_mem>>
      %dma_wait3A_259 = tpu.memref_squeeze %dma_wait3A_258 : memref<1x1x!tpu.dma_semaphore, #tpu.memory_space<semaphore_mem>> -> memref<!tpu.dma_semaphore, #tpu.memory_space<semaphore_mem>>
      %dma_wait3A_260 = arith.constant 0 : i32
      %dma_wait3A_261 = arith.constant 0 : i32
      %dma_wait3A_262 = tpu.memref_slice %arg5[%rem3A_248, %dma_wait3A_260, %dma_wait3A_261] : memref<2x160x128xf32, #tpu.memory_space<vmem>> -> memref<1x160x128xf32, #tpu.memory_space<vmem>>
      %dma_wait3A_263 = tpu.memref_squeeze %dma_wait3A_262 : memref<1x160x128xf32, #tpu.memory_space<vmem>> -> memref<160x128xf32, #tpu.memory_space<vmem>>
      %dma_wait3A_264 = tpu.memref_slice %arg2[%add3A_252, %mul3A_2] : memref<20000x4096xf32, #tpu.memory_space<hbm>> -> memref<160x128xf32, #tpu.memory_space<hbm>>
      tpu.wait_dma2 semaphore(%dma_wait3A_259 : memref<!tpu.dma_semaphore, #tpu.memory_space<semaphore_mem>>) src(%dma_wait3A_264 : memref<160x128xf32, #tpu.memory_space<hbm>>) dst(%dma_wait3A_263 : memref<160x128xf32, #tpu.memory_space<vmem>>)
      %mul3A_265 = arith.constant 160 : i32
      %mul3A_266 = arith.muli %scan3A_223, %mul3A_265 : i32
      %add3A_267 = arith.constant 15360 : i32
      %add3A_268 = arith.addi %add3A_267, %mul3A_266 : i32
      %dma_wait3A_269 = arith.constant 1 : i32
      %dma_wait3A_270 = arith.constant 0 : i32
      %dma_wait3A_271 = arith.constant 0 : i32
      %dma_wait3A_272 = tpu.memref_slice %arg6[%rem3A_248, %dma_wait3A_270, %dma_wait3A_271] : memref<2x160x48xf32, #tpu.memory_space<vmem>> -> memref<1x160x48xf32, #tpu.memory_space<vmem>>
      %dma_wait3A_273 = tpu.memref_squeeze %dma_wait3A_272 : memref<1x160x48xf32, #tpu.memory_space<vmem>> -> memref<160x48xf32, #tpu.memory_space<vmem>>
      %dma_wait3A_274 = arith.constant 0 : i32
      %dma_wait3A_275 = tpu.memref_slice %arg3[%add3A_268, %dma_wait3A_274] : memref<20000x48xf32, #tpu.memory_space<hbm>> -> memref<160x48xf32, #tpu.memory_space<hbm>>
      %dma_wait3A_276 = tpu.memref_slice %arg8[%rem3A_248, %dma_wait3A_269] : memref<2x2x!tpu.dma_semaphore, #tpu.memory_space<semaphore_mem>> -> memref<1x1x!tpu.dma_semaphore, #tpu.memory_space<semaphore_mem>>
      %dma_wait3A_277 = tpu.memref_squeeze %dma_wait3A_276 : memref<1x1x!tpu.dma_semaphore, #tpu.memory_space<semaphore_mem>> -> memref<!tpu.dma_semaphore, #tpu.memory_space<semaphore_mem>>
      %dma_wait3A_278 = arith.constant 0 : i32
      %dma_wait3A_279 = arith.constant 0 : i32
      %dma_wait3A_280 = tpu.memref_slice %arg6[%rem3A_248, %dma_wait3A_278, %dma_wait3A_279] : memref<2x160x48xf32, #tpu.memory_space<vmem>> -> memref<1x160x48xf32, #tpu.memory_space<vmem>>
      %dma_wait3A_281 = tpu.memref_squeeze %dma_wait3A_280 : memref<1x160x48xf32, #tpu.memory_space<vmem>> -> memref<160x48xf32, #tpu.memory_space<vmem>>
      %dma_wait3A_282 = arith.constant 0 : i32
      %dma_wait3A_283 = tpu.memref_slice %arg3[%add3A_268, %dma_wait3A_282] : memref<20000x48xf32, #tpu.memory_space<hbm>> -> memref<160x48xf32, #tpu.memory_space<hbm>>
      tpu.wait_dma2 semaphore(%dma_wait3A_277 : memref<!tpu.dma_semaphore, #tpu.memory_space<semaphore_mem>>) src(%dma_wait3A_283 : memref<160x48xf32, #tpu.memory_space<hbm>>) dst(%dma_wait3A_281 : memref<160x48xf32, #tpu.memory_space<vmem>>)
      %scan3A_284 = arith.constant 0 : i32
      %scan3A_285 = arith.constant 160 : i32
      %scan3A_286 = arith.addi %scan3A_284, %scan3A_285 : i32
      %scan3A_287 = arith.constant 1 : i32
      %scan3A_288:24 = scf.for %scan3A_294 = %scan3A_284 to %scan3A_286 step %scan3A_287 iter_args(%scan3A_295 = %scan3A_224, %scan3A_296 = %scan3A_225, %scan3A_297 = %scan3A_226, %scan3A_298 = %scan3A_227, %scan3A_299 = %scan3A_228, %scan3A_300 = %scan3A_229, %scan3A_301 = %scan3A_230, %scan3A_302 = %scan3A_231, %scan3A_303 = %scan3A_232, %scan3A_304 = %scan3A_233, %scan3A_305 = %scan3A_234, %scan3A_306 = %scan3A_235, %scan3A_307 = %scan3A_236, %scan3A_308 = %scan3A_237, %scan3A_309 = %scan3A_238, %scan3A_310 = %scan3A_239, %scan3A_311 = %scan3A_240, %scan3A_312 = %scan3A_241, %scan3A_313 = %scan3A_242, %scan3A_314 = %scan3A_243, %scan3A_315 = %scan3A_244, %scan3A_316 = %scan3A_245, %scan3A_317 = %scan3A_246, %scan3A_318 = %scan3A_247) -> (vector<16xf32>, vector<16xf32>, vector<16xf32>, vector<16xf32>, vector<16xf32>, vector<16xf32>, vector<16xf32>, vector<16xf32>, vector<16xf32>, vector<16xf32>, vector<16xf32>, vector<16xf32>, vector<16xf32>, vector<16xf32>, vector<16xf32>, vector<16xf32>, vector<16xf32>, vector<16xf32>, vector<16xf32>, vector<16xf32>, vector<16xf32>, vector<16xf32>, vector<16xf32>, vector<16xf32>)  : i32 {
        %get3A = arith.index_cast %rem3A_248 : i32 to index
        %get3A_319 = arith.index_cast %scan3A_294 : i32 to index
        %get3A_320 = arith.constant 0 : index
        %get3A_321 = tpu.vector_load %arg6[%get3A, %get3A_319, %get3A_320] {strides = array<i32>} : memref<2x160x48xf32, #tpu.memory_space<vmem>>, vector<1x1x16xf32>,
        %get3A_322 = vector.shape_cast %get3A_321 : vector<1x1x16xf32> to vector<16xf32>
        %get3A_323 = arith.index_cast %rem3A_248 : i32 to index
        %get3A_324 = arith.index_cast %scan3A_294 : i32 to index
        %get3A_325 = arith.constant 0 : index
        %get3A_326 = tpu.vector_load %arg5[%get3A_323, %get3A_324, %get3A_325] {strides = array<i32>} : memref<2x160x128xf32, #tpu.memory_space<vmem>>, vector<1x1x16xf32>,
        %get3A_327 = vector.shape_cast %get3A_326 : vector<1x1x16xf32> to vector<16xf32>
        %mul3A_328 = arith.mulf %get3A_327, %get3A_322 : vector<16xf32>
        %add3A_329 = arith.addf %scan3A_295, %mul3A_328 : vector<16xf32>
        %get3A_330 = arith.index_cast %rem3A_248 : i32 to index
        %get3A_331 = arith.index_cast %scan3A_294 : i32 to index
        %get3A_332 = arith.constant 16 : index
        %get3A_333 = tpu.vector_load %arg5[%get3A_330, %get3A_331, %get3A_332] {strides = array<i32>} : memref<2x160x128xf32, #tpu.memory_space<vmem>>, vector<1x1x16xf32>,
        %get3A_334 = vector.shape_cast %get3A_333 : vector<1x1x16xf32> to vector<16xf32>
        %mul3A_335 = arith.mulf %get3A_334, %get3A_322 : vector<16xf32>
        %add3A_336 = arith.addf %scan3A_296, %mul3A_335 : vector<16xf32>
        %get3A_337 = arith.index_cast %rem3A_248 : i32 to index
        %get3A_338 = arith.index_cast %scan3A_294 : i32 to index
        %get3A_339 = arith.constant 32 : index
        %get3A_340 = tpu.vector_load %arg5[%get3A_337, %get3A_338, %get3A_339] {strides = array<i32>} : memref<2x160x128xf32, #tpu.memory_space<vmem>>, vector<1x1x16xf32>,
        %get3A_341 = vector.shape_cast %get3A_340 : vector<1x1x16xf32> to vector<16xf32>
        %mul3A_342 = arith.mulf %get3A_341, %get3A_322 : vector<16xf32>
        %add3A_343 = arith.addf %scan3A_297, %mul3A_342 : vector<16xf32>
        %get3A_344 = arith.index_cast %rem3A_248 : i32 to index
        %get3A_345 = arith.index_cast %scan3A_294 : i32 to index
        %get3A_346 = arith.constant 48 : index
        %get3A_347 = tpu.vector_load %arg5[%get3A_344, %get3A_345, %get3A_346] {strides = array<i32>} : memref<2x160x128xf32, #tpu.memory_space<vmem>>, vector<1x1x16xf32>,
        %get3A_348 = vector.shape_cast %get3A_347 : vector<1x1x16xf32> to vector<16xf32>
        %mul3A_349 = arith.mulf %get3A_348, %get3A_322 : vector<16xf32>
        %add3A_350 = arith.addf %scan3A_298, %mul3A_349 : vector<16xf32>
        %get3A_351 = arith.index_cast %rem3A_248 : i32 to index
        %get3A_352 = arith.index_cast %scan3A_294 : i32 to index
        %get3A_353 = arith.constant 64 : index
        %get3A_354 = tpu.vector_load %arg5[%get3A_351, %get3A_352, %get3A_353] {strides = array<i32>} : memref<2x160x128xf32, #tpu.memory_space<vmem>>, vector<1x1x16xf32>,
        %get3A_355 = vector.shape_cast %get3A_354 : vector<1x1x16xf32> to vector<16xf32>
        %mul3A_356 = arith.mulf %get3A_355, %get3A_322 : vector<16xf32>
        %add3A_357 = arith.addf %scan3A_299, %mul3A_356 : vector<16xf32>
        %get3A_358 = arith.index_cast %rem3A_248 : i32 to index
        %get3A_359 = arith.index_cast %scan3A_294 : i32 to index
        %get3A_360 = arith.constant 80 : index
        %get3A_361 = tpu.vector_load %arg5[%get3A_358, %get3A_359, %get3A_360] {strides = array<i32>} : memref<2x160x128xf32, #tpu.memory_space<vmem>>, vector<1x1x16xf32>,
        %get3A_362 = vector.shape_cast %get3A_361 : vector<1x1x16xf32> to vector<16xf32>
        %mul3A_363 = arith.mulf %get3A_362, %get3A_322 : vector<16xf32>
        %add3A_364 = arith.addf %scan3A_300, %mul3A_363 : vector<16xf32>
        %get3A_365 = arith.index_cast %rem3A_248 : i32 to index
        %get3A_366 = arith.index_cast %scan3A_294 : i32 to index
        %get3A_367 = arith.constant 96 : index
        %get3A_368 = tpu.vector_load %arg5[%get3A_365, %get3A_366, %get3A_367] {strides = array<i32>} : memref<2x160x128xf32, #tpu.memory_space<vmem>>, vector<1x1x16xf32>,
        %get3A_369 = vector.shape_cast %get3A_368 : vector<1x1x16xf32> to vector<16xf32>
        %mul3A_370 = arith.mulf %get3A_369, %get3A_322 : vector<16xf32>
        %add3A_371 = arith.addf %scan3A_301, %mul3A_370 : vector<16xf32>
        %get3A_372 = arith.index_cast %rem3A_248 : i32 to index
        %get3A_373 = arith.index_cast %scan3A_294 : i32 to index
        %get3A_374 = arith.constant 112 : index
        %get3A_375 = tpu.vector_load %arg5[%get3A_372, %get3A_373, %get3A_374] {strides = array<i32>} : memref<2x160x128xf32, #tpu.memory_space<vmem>>, vector<1x1x16xf32>,
        %get3A_376 = vector.shape_cast %get3A_375 : vector<1x1x16xf32> to vector<16xf32>
        %mul3A_377 = arith.mulf %get3A_376, %get3A_322 : vector<16xf32>
        %add3A_378 = arith.addf %scan3A_302, %mul3A_377 : vector<16xf32>
        %get3A_379 = arith.index_cast %rem3A_248 : i32 to index
        %get3A_380 = arith.index_cast %scan3A_294 : i32 to index
        %get3A_381 = arith.constant 16 : index
        %get3A_382 = tpu.vector_load %arg6[%get3A_379, %get3A_380, %get3A_381] {strides = array<i32>} : memref<2x160x48xf32, #tpu.memory_space<vmem>>, vector<1x1x16xf32>,
        %get3A_383 = vector.shape_cast %get3A_382 : vector<1x1x16xf32> to vector<16xf32>
        %get3A_384 = arith.index_cast %rem3A_248 : i32 to index
        %get3A_385 = arith.index_cast %scan3A_294 : i32 to index
        %get3A_386 = arith.constant 0 : index
        %get3A_387 = tpu.vector_load %arg5[%get3A_384, %get3A_385, %get3A_386] {strides = array<i32>} : memref<2x160x128xf32, #tpu.memory_space<vmem>>, vector<1x1x16xf32>,
        %get3A_388 = vector.shape_cast %get3A_387 : vector<1x1x16xf32> to vector<16xf32>
        %mul3A_389 = arith.mulf %get3A_388, %get3A_383 : vector<16xf32>
        %add3A_390 = arith.addf %scan3A_303, %mul3A_389 : vector<16xf32>
        %get3A_391 = arith.index_cast %rem3A_248 : i32 to index
        %get3A_392 = arith.index_cast %scan3A_294 : i32 to index
        %get3A_393 = arith.constant 16 : index
        %get3A_394 = tpu.vector_load %arg5[%get3A_391, %get3A_392, %get3A_393] {strides = array<i32>} : memref<2x160x128xf32, #tpu.memory_space<vmem>>, vector<1x1x16xf32>,
        %get3A_395 = vector.shape_cast %get3A_394 : vector<1x1x16xf32> to vector<16xf32>
        %mul3A_396 = arith.mulf %get3A_395, %get3A_383 : vector<16xf32>
        %add3A_397 = arith.addf %scan3A_304, %mul3A_396 : vector<16xf32>
        %get3A_398 = arith.index_cast %rem3A_248 : i32 to index
        %get3A_399 = arith.index_cast %scan3A_294 : i32 to index
        %get3A_400 = arith.constant 32 : index
        %get3A_401 = tpu.vector_load %arg5[%get3A_398, %get3A_399, %get3A_400] {strides = array<i32>} : memref<2x160x128xf32, #tpu.memory_space<vmem>>, vector<1x1x16xf32>,
        %get3A_402 = vector.shape_cast %get3A_401 : vector<1x1x16xf32> to vector<16xf32>
        %mul3A_403 = arith.mulf %get3A_402, %get3A_383 : vector<16xf32>
        %add3A_404 = arith.addf %scan3A_305, %mul3A_403 : vector<16xf32>
        %get3A_405 = arith.index_cast %rem3A_248 : i32 to index
        %get3A_406 = arith.index_cast %scan3A_294 : i32 to index
        %get3A_407 = arith.constant 48 : index
        %get3A_408 = tpu.vector_load %arg5[%get3A_405, %get3A_406, %get3A_407] {strides = array<i32>} : memref<2x160x128xf32, #tpu.memory_space<vmem>>, vector<1x1x16xf32>,
        %get3A_409 = vector.shape_cast %get3A_408 : vector<1x1x16xf32> to vector<16xf32>
        %mul3A_410 = arith.mulf %get3A_409, %get3A_383 : vector<16xf32>
        %add3A_411 = arith.addf %scan3A_306, %mul3A_410 : vector<16xf32>
        %get3A_412 = arith.index_cast %rem3A_248 : i32 to index
        %get3A_413 = arith.index_cast %scan3A_294 : i32 to index
        %get3A_414 = arith.constant 64 : index
        %get3A_415 = tpu.vector_load %arg5[%get3A_412, %get3A_413, %get3A_414] {strides = array<i32>} : memref<2x160x128xf32, #tpu.memory_space<vmem>>, vector<1x1x16xf32>,
        %get3A_416 = vector.shape_cast %get3A_415 : vector<1x1x16xf32> to vector<16xf32>
        %mul3A_417 = arith.mulf %get3A_416, %get3A_383 : vector<16xf32>
        %add3A_418 = arith.addf %scan3A_307, %mul3A_417 : vector<16xf32>
        %get3A_419 = arith.index_cast %rem3A_248 : i32 to index
        %get3A_420 = arith.index_cast %scan3A_294 : i32 to index
        %get3A_421 = arith.constant 80 : index
        %get3A_422 = tpu.vector_load %arg5[%get3A_419, %get3A_420, %get3A_421] {strides = array<i32>} : memref<2x160x128xf32, #tpu.memory_space<vmem>>, vector<1x1x16xf32>,
        %get3A_423 = vector.shape_cast %get3A_422 : vector<1x1x16xf32> to vector<16xf32>
        %mul3A_424 = arith.mulf %get3A_423, %get3A_383 : vector<16xf32>
        %add3A_425 = arith.addf %scan3A_308, %mul3A_424 : vector<16xf32>
        %get3A_426 = arith.index_cast %rem3A_248 : i32 to index
        %get3A_427 = arith.index_cast %scan3A_294 : i32 to index
        %get3A_428 = arith.constant 96 : index
        %get3A_429 = tpu.vector_load %arg5[%get3A_426, %get3A_427, %get3A_428] {strides = array<i32>} : memref<2x160x128xf32, #tpu.memory_space<vmem>>, vector<1x1x16xf32>,
        %get3A_430 = vector.shape_cast %get3A_429 : vector<1x1x16xf32> to vector<16xf32>
        %mul3A_431 = arith.mulf %get3A_430, %get3A_383 : vector<16xf32>
        %add3A_432 = arith.addf %scan3A_309, %mul3A_431 : vector<16xf32>
        %get3A_433 = arith.index_cast %rem3A_248 : i32 to index
        %get3A_434 = arith.index_cast %scan3A_294 : i32 to index
        %get3A_435 = arith.constant 112 : index
        %get3A_436 = tpu.vector_load %arg5[%get3A_433, %get3A_434, %get3A_435] {strides = array<i32>} : memref<2x160x128xf32, #tpu.memory_space<vmem>>, vector<1x1x16xf32>,
        %get3A_437 = vector.shape_cast %get3A_436 : vector<1x1x16xf32> to vector<16xf32>
        %mul3A_438 = arith.mulf %get3A_437, %get3A_383 : vector<16xf32>
        %add3A_439 = arith.addf %scan3A_310, %mul3A_438 : vector<16xf32>
        %get3A_440 = arith.index_cast %rem3A_248 : i32 to index
        %get3A_441 = arith.index_cast %scan3A_294 : i32 to index
        %get3A_442 = arith.constant 32 : index
        %get3A_443 = tpu.vector_load %arg6[%get3A_440, %get3A_441, %get3A_442] {strides = array<i32>} : memref<2x160x48xf32, #tpu.memory_space<vmem>>, vector<1x1x16xf32>,
        %get3A_444 = vector.shape_cast %get3A_443 : vector<1x1x16xf32> to vector<16xf32>
        %get3A_445 = arith.index_cast %rem3A_248 : i32 to index
        %get3A_446 = arith.index_cast %scan3A_294 : i32 to index
        %get3A_447 = arith.constant 0 : index
        %get3A_448 = tpu.vector_load %arg5[%get3A_445, %get3A_446, %get3A_447] {strides = array<i32>} : memref<2x160x128xf32, #tpu.memory_space<vmem>>, vector<1x1x16xf32>,
        %get3A_449 = vector.shape_cast %get3A_448 : vector<1x1x16xf32> to vector<16xf32>
        %mul3A_450 = arith.mulf %get3A_449, %get3A_444 : vector<16xf32>
        %add3A_451 = arith.addf %scan3A_311, %mul3A_450 : vector<16xf32>
        %get3A_452 = arith.index_cast %rem3A_248 : i32 to index
        %get3A_453 = arith.index_cast %scan3A_294 : i32 to index
        %get3A_454 = arith.constant 16 : index
        %get3A_455 = tpu.vector_load %arg5[%get3A_452, %get3A_453, %get3A_454] {strides = array<i32>} : memref<2x160x128xf32, #tpu.memory_space<vmem>>, vector<1x1x16xf32>,
        %get3A_456 = vector.shape_cast %get3A_455 : vector<1x1x16xf32> to vector<16xf32>
        %mul3A_457 = arith.mulf %get3A_456, %get3A_444 : vector<16xf32>
        %add3A_458 = arith.addf %scan3A_312, %mul3A_457 : vector<16xf32>
        %get3A_459 = arith.index_cast %rem3A_248 : i32 to index
        %get3A_460 = arith.index_cast %scan3A_294 : i32 to index
        %get3A_461 = arith.constant 32 : index
        %get3A_462 = tpu.vector_load %arg5[%get3A_459, %get3A_460, %get3A_461] {strides = array<i32>} : memref<2x160x128xf32, #tpu.memory_space<vmem>>, vector<1x1x16xf32>,
        %get3A_463 = vector.shape_cast %get3A_462 : vector<1x1x16xf32> to vector<16xf32>
        %mul3A_464 = arith.mulf %get3A_463, %get3A_444 : vector<16xf32>
        %add3A_465 = arith.addf %scan3A_313, %mul3A_464 : vector<16xf32>
        %get3A_466 = arith.index_cast %rem3A_248 : i32 to index
        %get3A_467 = arith.index_cast %scan3A_294 : i32 to index
        %get3A_468 = arith.constant 48 : index
        %get3A_469 = tpu.vector_load %arg5[%get3A_466, %get3A_467, %get3A_468] {strides = array<i32>} : memref<2x160x128xf32, #tpu.memory_space<vmem>>, vector<1x1x16xf32>,
        %get3A_470 = vector.shape_cast %get3A_469 : vector<1x1x16xf32> to vector<16xf32>
        %mul3A_471 = arith.mulf %get3A_470, %get3A_444 : vector<16xf32>
        %add3A_472 = arith.addf %scan3A_314, %mul3A_471 : vector<16xf32>
        %get3A_473 = arith.index_cast %rem3A_248 : i32 to index
        %get3A_474 = arith.index_cast %scan3A_294 : i32 to index
        %get3A_475 = arith.constant 64 : index
        %get3A_476 = tpu.vector_load %arg5[%get3A_473, %get3A_474, %get3A_475] {strides = array<i32>} : memref<2x160x128xf32, #tpu.memory_space<vmem>>, vector<1x1x16xf32>,
        %get3A_477 = vector.shape_cast %get3A_476 : vector<1x1x16xf32> to vector<16xf32>
        %mul3A_478 = arith.mulf %get3A_477, %get3A_444 : vector<16xf32>
        %add3A_479 = arith.addf %scan3A_315, %mul3A_478 : vector<16xf32>
        %get3A_480 = arith.index_cast %rem3A_248 : i32 to index
        %get3A_481 = arith.index_cast %scan3A_294 : i32 to index
        %get3A_482 = arith.constant 80 : index
        %get3A_483 = tpu.vector_load %arg5[%get3A_480, %get3A_481, %get3A_482] {strides = array<i32>} : memref<2x160x128xf32, #tpu.memory_space<vmem>>, vector<1x1x16xf32>,
        %get3A_484 = vector.shape_cast %get3A_483 : vector<1x1x16xf32> to vector<16xf32>
        %mul3A_485 = arith.mulf %get3A_484, %get3A_444 : vector<16xf32>
        %add3A_486 = arith.addf %scan3A_316, %mul3A_485 : vector<16xf32>
        %get3A_487 = arith.index_cast %rem3A_248 : i32 to index
        %get3A_488 = arith.index_cast %scan3A_294 : i32 to index
        %get3A_489 = arith.constant 96 : index
        %get3A_490 = tpu.vector_load %arg5[%get3A_487, %get3A_488, %get3A_489] {strides = array<i32>} : memref<2x160x128xf32, #tpu.memory_space<vmem>>, vector<1x1x16xf32>,
        %get3A_491 = vector.shape_cast %get3A_490 : vector<1x1x16xf32> to vector<16xf32>
        %mul3A_492 = arith.mulf %get3A_491, %get3A_444 : vector<16xf32>
        %add3A_493 = arith.addf %scan3A_317, %mul3A_492 : vector<16xf32>
        %get3A_494 = arith.index_cast %rem3A_248 : i32 to index
        %get3A_495 = arith.index_cast %scan3A_294 : i32 to index
        %get3A_496 = arith.constant 112 : index
        %get3A_497 = tpu.vector_load %arg5[%get3A_494, %get3A_495, %get3A_496] {strides = array<i32>} : memref<2x160x128xf32, #tpu.memory_space<vmem>>, vector<1x1x16xf32>,
        %get3A_498 = vector.shape_cast %get3A_497 : vector<1x1x16xf32> to vector<16xf32>
        %mul3A_499 = arith.mulf %get3A_498, %get3A_444 : vector<16xf32>
        %add3A_500 = arith.addf %scan3A_318, %mul3A_499 : vector<16xf32>
        scf.yield %add3A_329, %add3A_336, %add3A_343, %add3A_350, %add3A_357, %add3A_364, %add3A_371, %add3A_378, %add3A_390, %add3A_397, %add3A_404, %add3A_411, %add3A_418, %add3A_425, %add3A_432, %add3A_439, %add3A_451, %add3A_458, %add3A_465, %add3A_472, %add3A_479, %add3A_486, %add3A_493, %add3A_500 : vector<16xf32>, vector<16xf32>, vector<16xf32>, vector<16xf32>, vector<16xf32>, vector<16xf32>, vector<16xf32>, vector<16xf32>, vector<16xf32>, vector<16xf32>, vector<16xf32>, vector<16xf32>, vector<16xf32>, vector<16xf32>, vector<16xf32>, vector<16xf32>, vector<16xf32>, vector<16xf32>, vector<16xf32>, vector<16xf32>, vector<16xf32>, vector<16xf32>, vector<16xf32>, vector<16xf32>
      }
      %scan3A_289 = arith.constant 160 : i32
      %add3A_290 = arith.constant 2 : i32
      %add3A_291 = arith.addi %scan3A_223, %add3A_290 : i32
      %lt3A = arith.constant 29 : i32
      %lt3A_292 = arith.cmpi slt, %add3A_291, %lt3A : i32
      %convert_element_type3A = arith.extui %lt3A_292 : i1 to i32
      %cond3A = arith.constant 0 : i32
      %cond3A_293 = arith.cmpi ne, %convert_element_type3A, %cond3A : i32
      scf.if %cond3A_293 {
        %add3A_294 = arith.constant 2 : i32
        %add3A_295 = arith.addi %scan3A_223, %add3A_294 : i32
        %mul3A_296 = arith.constant 160 : i32
        %mul3A_297 = arith.muli %add3A_295, %mul3A_296 : i32
        %add3A_298 = arith.constant 15360 : i32
        %add3A_299 = arith.addi %add3A_298, %mul3A_297 : i32
        %dma_start3A_300 = arith.constant 0 : i32
        %dma_start3A_301 = arith.constant 0 : i32
        %dma_start3A_302 = arith.constant 0 : i32
        %dma_start3A_303 = tpu.memref_slice %arg5[%rem3A_248, %dma_start3A_301, %dma_start3A_302] : memref<2x160x128xf32, #tpu.memory_space<vmem>> -> memref<1x160x128xf32, #tpu.memory_space<vmem>>
        %dma_start3A_304 = tpu.memref_squeeze %dma_start3A_303 : memref<1x160x128xf32, #tpu.memory_space<vmem>> -> memref<160x128xf32, #tpu.memory_space<vmem>>
        %dma_start3A_305 = tpu.memref_slice %arg2[%add3A_299, %mul3A_2] : memref<20000x4096xf32, #tpu.memory_space<hbm>> -> memref<160x128xf32, #tpu.memory_space<hbm>>
        %dma_start3A_306 = tpu.memref_slice %arg8[%rem3A_248, %dma_start3A_300] : memref<2x2x!tpu.dma_semaphore, #tpu.memory_space<semaphore_mem>> -> memref<1x1x!tpu.dma_semaphore, #tpu.memory_space<semaphore_mem>>
        %dma_start3A_307 = tpu.memref_squeeze %dma_start3A_306 : memref<1x1x!tpu.dma_semaphore, #tpu.memory_space<semaphore_mem>> -> memref<!tpu.dma_semaphore, #tpu.memory_space<semaphore_mem>>
        %dma_start3A_308 = arith.constant 0 : i32
        %dma_start3A_309 = arith.constant 0 : i32
        %dma_start3A_310 = tpu.memref_slice %arg5[%rem3A_248, %dma_start3A_308, %dma_start3A_309] : memref<2x160x128xf32, #tpu.memory_space<vmem>> -> memref<1x160x128xf32, #tpu.memory_space<vmem>>
        %dma_start3A_311 = tpu.memref_squeeze %dma_start3A_310 : memref<1x160x128xf32, #tpu.memory_space<vmem>> -> memref<160x128xf32, #tpu.memory_space<vmem>>
        %dma_start3A_312 = tpu.memref_slice %arg2[%add3A_299, %mul3A_2] : memref<20000x4096xf32, #tpu.memory_space<hbm>> -> memref<160x128xf32, #tpu.memory_space<hbm>>
        tpu.enqueue_dma source(%dma_start3A_312 : memref<160x128xf32, #tpu.memory_space<hbm>>) target(%dma_start3A_311 : memref<160x128xf32, #tpu.memory_space<vmem>>) target_semaphore(%dma_start3A_307 : memref<!tpu.dma_semaphore, #tpu.memory_space<semaphore_mem>>)
        %mul3A_313 = arith.constant 160 : i32
        %mul3A_314 = arith.muli %add3A_295, %mul3A_313 : i32
        %add3A_315 = arith.constant 15360 : i32
        %add3A_316 = arith.addi %add3A_315, %mul3A_314 : i32
        %dma_start3A_317 = arith.constant 1 : i32
        %dma_start3A_318 = arith.constant 0 : i32
        %dma_start3A_319 = arith.constant 0 : i32
        %dma_start3A_320 = tpu.memref_slice %arg6[%rem3A_248, %dma_start3A_318, %dma_start3A_319] : memref<2x160x48xf32, #tpu.memory_space<vmem>> -> memref<1x160x48xf32, #tpu.memory_space<vmem>>
        %dma_start3A_321 = tpu.memref_squeeze %dma_start3A_320 : memref<1x160x48xf32, #tpu.memory_space<vmem>> -> memref<160x48xf32, #tpu.memory_space<vmem>>
        %dma_start3A_322 = arith.constant 0 : i32
        %dma_start3A_323 = tpu.memref_slice %arg3[%add3A_316, %dma_start3A_322] : memref<20000x48xf32, #tpu.memory_space<hbm>> -> memref<160x48xf32, #tpu.memory_space<hbm>>
        %dma_start3A_324 = tpu.memref_slice %arg8[%rem3A_248, %dma_start3A_317] : memref<2x2x!tpu.dma_semaphore, #tpu.memory_space<semaphore_mem>> -> memref<1x1x!tpu.dma_semaphore, #tpu.memory_space<semaphore_mem>>
        %dma_start3A_325 = tpu.memref_squeeze %dma_start3A_324 : memref<1x1x!tpu.dma_semaphore, #tpu.memory_space<semaphore_mem>> -> memref<!tpu.dma_semaphore, #tpu.memory_space<semaphore_mem>>
        %dma_start3A_326 = arith.constant 0 : i32
        %dma_start3A_327 = arith.constant 0 : i32
        %dma_start3A_328 = tpu.memref_slice %arg6[%rem3A_248, %dma_start3A_326, %dma_start3A_327] : memref<2x160x48xf32, #tpu.memory_space<vmem>> -> memref<1x160x48xf32, #tpu.memory_space<vmem>>
        %dma_start3A_329 = tpu.memref_squeeze %dma_start3A_328 : memref<1x160x48xf32, #tpu.memory_space<vmem>> -> memref<160x48xf32, #tpu.memory_space<vmem>>
        %dma_start3A_330 = arith.constant 0 : i32
        %dma_start3A_331 = tpu.memref_slice %arg3[%add3A_316, %dma_start3A_330] : memref<20000x48xf32, #tpu.memory_space<hbm>> -> memref<160x48xf32, #tpu.memory_space<hbm>>
        tpu.enqueue_dma source(%dma_start3A_331 : memref<160x48xf32, #tpu.memory_space<hbm>>) target(%dma_start3A_329 : memref<160x48xf32, #tpu.memory_space<vmem>>) target_semaphore(%dma_start3A_325 : memref<!tpu.dma_semaphore, #tpu.memory_space<semaphore_mem>>)
      } else {
      }
      scf.yield %scan3A_288#0, %scan3A_288#1, %scan3A_288#2, %scan3A_288#3, %scan3A_288#4, %scan3A_288#5, %scan3A_288#6, %scan3A_288#7, %scan3A_288#8, %scan3A_288#9, %scan3A_288#10, %scan3A_288#11, %scan3A_288#12, %scan3A_288#13, %scan3A_288#14, %scan3A_288#15, %scan3A_288#16, %scan3A_288#17, %scan3A_288#18, %scan3A_288#19, %scan3A_288#20, %scan3A_288#21, %scan3A_288#22, %scan3A_288#23 : vector<16xf32>, vector<16xf32>, vector<16xf32>, vector<16xf32>, vector<16xf32>, vector<16xf32>, vector<16xf32>, vector<16xf32>, vector<16xf32>, vector<16xf32>, vector<16xf32>, vector<16xf32>, vector<16xf32>, vector<16xf32>, vector<16xf32>, vector<16xf32>, vector<16xf32>, vector<16xf32>, vector<16xf32>, vector<16xf32>, vector<16xf32>, vector<16xf32>, vector<16xf32>, vector<16xf32>
    }
    %scan3A_79 = arith.constant 29 : i32
    %swap3A = arith.constant 0 : i32
    %swap3A_80 = arith.index_cast %swap3A : i32 to index
    %swap3A_81 = arith.constant 0 : index
    %swap3A_82 = tpu.vector_load %arg7[%swap3A_80, %swap3A_81] {strides = array<i32>} : memref<3x128xf32, #tpu.memory_space<vmem>>, vector<1x16xf32>,
    %swap3A_83 = vector.shape_cast %swap3A_82 : vector<1x16xf32> to vector<16xf32>
    %swap3A_84 = vector.shape_cast %scan3A_78#0 : vector<16xf32> to vector<1x16xf32>
    tpu.vector_store %arg7[%swap3A_80, %swap3A_81], %swap3A_84 {strides = array<i32>} : memref<3x128xf32, #tpu.memory_space<vmem>>, vector<1x16xf32>,
    %swap3A_85 = arith.constant 0 : i32
    %swap3A_86 = arith.index_cast %swap3A_85 : i32 to index
    %swap3A_87 = arith.constant 16 : index
    %swap3A_88 = tpu.vector_load %arg7[%swap3A_86, %swap3A_87] {strides = array<i32>} : memref<3x128xf32, #tpu.memory_space<vmem>>, vector<1x16xf32>,
    %swap3A_89 = vector.shape_cast %swap3A_88 : vector<1x16xf32> to vector<16xf32>
    %swap3A_90 = vector.shape_cast %scan3A_78#1 : vector<16xf32> to vector<1x16xf32>
    tpu.vector_store %arg7[%swap3A_86, %swap3A_87], %swap3A_90 {strides = array<i32>} : memref<3x128xf32, #tpu.memory_space<vmem>>, vector<1x16xf32>,
    %swap3A_91 = arith.constant 0 : i32
    %swap3A_92 = arith.index_cast %swap3A_91 : i32 to index
    %swap3A_93 = arith.constant 32 : index
    %swap3A_94 = tpu.vector_load %arg7[%swap3A_92, %swap3A_93] {strides = array<i32>} : memref<3x128xf32, #tpu.memory_space<vmem>>, vector<1x16xf32>,
    %swap3A_95 = vector.shape_cast %swap3A_94 : vector<1x16xf32> to vector<16xf32>
    %swap3A_96 = vector.shape_cast %scan3A_78#2 : vector<16xf32> to vector<1x16xf32>
    tpu.vector_store %arg7[%swap3A_92, %swap3A_93], %swap3A_96 {strides = array<i32>} : memref<3x128xf32, #tpu.memory_space<vmem>>, vector<1x16xf32>,
    %swap3A_97 = arith.constant 0 : i32
    %swap3A_98 = arith.index_cast %swap3A_97 : i32 to index
    %swap3A_99 = arith.constant 48 : index
    %swap3A_100 = tpu.vector_load %arg7[%swap3A_98, %swap3A_99] {strides = array<i32>} : memref<3x128xf32, #tpu.memory_space<vmem>>, vector<1x16xf32>,
    %swap3A_101 = vector.shape_cast %swap3A_100 : vector<1x16xf32> to vector<16xf32>
    %swap3A_102 = vector.shape_cast %scan3A_78#3 : vector<16xf32> to vector<1x16xf32>
    tpu.vector_store %arg7[%swap3A_98, %swap3A_99], %swap3A_102 {strides = array<i32>} : memref<3x128xf32, #tpu.memory_space<vmem>>, vector<1x16xf32>,
    %swap3A_103 = arith.constant 0 : i32
    %swap3A_104 = arith.index_cast %swap3A_103 : i32 to index
    %swap3A_105 = arith.constant 64 : index
    %swap3A_106 = tpu.vector_load %arg7[%swap3A_104, %swap3A_105] {strides = array<i32>} : memref<3x128xf32, #tpu.memory_space<vmem>>, vector<1x16xf32>,
    %swap3A_107 = vector.shape_cast %swap3A_106 : vector<1x16xf32> to vector<16xf32>
    %swap3A_108 = vector.shape_cast %scan3A_78#4 : vector<16xf32> to vector<1x16xf32>
    tpu.vector_store %arg7[%swap3A_104, %swap3A_105], %swap3A_108 {strides = array<i32>} : memref<3x128xf32, #tpu.memory_space<vmem>>, vector<1x16xf32>,
    %swap3A_109 = arith.constant 0 : i32
    %swap3A_110 = arith.index_cast %swap3A_109 : i32 to index
    %swap3A_111 = arith.constant 80 : index
    %swap3A_112 = tpu.vector_load %arg7[%swap3A_110, %swap3A_111] {strides = array<i32>} : memref<3x128xf32, #tpu.memory_space<vmem>>, vector<1x16xf32>,
    %swap3A_113 = vector.shape_cast %swap3A_112 : vector<1x16xf32> to vector<16xf32>
    %swap3A_114 = vector.shape_cast %scan3A_78#5 : vector<16xf32> to vector<1x16xf32>
    tpu.vector_store %arg7[%swap3A_110, %swap3A_111], %swap3A_114 {strides = array<i32>} : memref<3x128xf32, #tpu.memory_space<vmem>>, vector<1x16xf32>,
    %swap3A_115 = arith.constant 0 : i32
    %swap3A_116 = arith.index_cast %swap3A_115 : i32 to index
    %swap3A_117 = arith.constant 96 : index
    %swap3A_118 = tpu.vector_load %arg7[%swap3A_116, %swap3A_117] {strides = array<i32>} : memref<3x128xf32, #tpu.memory_space<vmem>>, vector<1x16xf32>,
    %swap3A_119 = vector.shape_cast %swap3A_118 : vector<1x16xf32> to vector<16xf32>
    %swap3A_120 = vector.shape_cast %scan3A_78#6 : vector<16xf32> to vector<1x16xf32>
    tpu.vector_store %arg7[%swap3A_116, %swap3A_117], %swap3A_120 {strides = array<i32>} : memref<3x128xf32, #tpu.memory_space<vmem>>, vector<1x16xf32>,
    %swap3A_121 = arith.constant 0 : i32
    %swap3A_122 = arith.index_cast %swap3A_121 : i32 to index
    %swap3A_123 = arith.constant 112 : index
    %swap3A_124 = tpu.vector_load %arg7[%swap3A_122, %swap3A_123] {strides = array<i32>} : memref<3x128xf32, #tpu.memory_space<vmem>>, vector<1x16xf32>,
    %swap3A_125 = vector.shape_cast %swap3A_124 : vector<1x16xf32> to vector<16xf32>
    %swap3A_126 = vector.shape_cast %scan3A_78#7 : vector<16xf32> to vector<1x16xf32>
    tpu.vector_store %arg7[%swap3A_122, %swap3A_123], %swap3A_126 {strides = array<i32>} : memref<3x128xf32, #tpu.memory_space<vmem>>, vector<1x16xf32>,
    %swap3A_127 = arith.constant 1 : i32
    %swap3A_128 = arith.index_cast %swap3A_127 : i32 to index
    %swap3A_129 = arith.constant 0 : index
    %swap3A_130 = tpu.vector_load %arg7[%swap3A_128, %swap3A_129] {strides = array<i32>} : memref<3x128xf32, #tpu.memory_space<vmem>>, vector<1x16xf32>,
    %swap3A_131 = vector.shape_cast %swap3A_130 : vector<1x16xf32> to vector<16xf32>
    %swap3A_132 = vector.shape_cast %scan3A_78#8 : vector<16xf32> to vector<1x16xf32>
    tpu.vector_store %arg7[%swap3A_128, %swap3A_129], %swap3A_132 {strides = array<i32>} : memref<3x128xf32, #tpu.memory_space<vmem>>, vector<1x16xf32>,
    %swap3A_133 = arith.constant 1 : i32
    %swap3A_134 = arith.index_cast %swap3A_133 : i32 to index
    %swap3A_135 = arith.constant 16 : index
    %swap3A_136 = tpu.vector_load %arg7[%swap3A_134, %swap3A_135] {strides = array<i32>} : memref<3x128xf32, #tpu.memory_space<vmem>>, vector<1x16xf32>,
    %swap3A_137 = vector.shape_cast %swap3A_136 : vector<1x16xf32> to vector<16xf32>
    %swap3A_138 = vector.shape_cast %scan3A_78#9 : vector<16xf32> to vector<1x16xf32>
    tpu.vector_store %arg7[%swap3A_134, %swap3A_135], %swap3A_138 {strides = array<i32>} : memref<3x128xf32, #tpu.memory_space<vmem>>, vector<1x16xf32>,
    %swap3A_139 = arith.constant 1 : i32
    %swap3A_140 = arith.index_cast %swap3A_139 : i32 to index
    %swap3A_141 = arith.constant 32 : index
    %swap3A_142 = tpu.vector_load %arg7[%swap3A_140, %swap3A_141] {strides = array<i32>} : memref<3x128xf32, #tpu.memory_space<vmem>>, vector<1x16xf32>,
    %swap3A_143 = vector.shape_cast %swap3A_142 : vector<1x16xf32> to vector<16xf32>
    %swap3A_144 = vector.shape_cast %scan3A_78#10 : vector<16xf32> to vector<1x16xf32>
    tpu.vector_store %arg7[%swap3A_140, %swap3A_141], %swap3A_144 {strides = array<i32>} : memref<3x128xf32, #tpu.memory_space<vmem>>, vector<1x16xf32>,
    %swap3A_145 = arith.constant 1 : i32
    %swap3A_146 = arith.index_cast %swap3A_145 : i32 to index
    %swap3A_147 = arith.constant 48 : index
    %swap3A_148 = tpu.vector_load %arg7[%swap3A_146, %swap3A_147] {strides = array<i32>} : memref<3x128xf32, #tpu.memory_space<vmem>>, vector<1x16xf32>,
    %swap3A_149 = vector.shape_cast %swap3A_148 : vector<1x16xf32> to vector<16xf32>
    %swap3A_150 = vector.shape_cast %scan3A_78#11 : vector<16xf32> to vector<1x16xf32>
    tpu.vector_store %arg7[%swap3A_146, %swap3A_147], %swap3A_150 {strides = array<i32>} : memref<3x128xf32, #tpu.memory_space<vmem>>, vector<1x16xf32>,
    %swap3A_151 = arith.constant 1 : i32
    %swap3A_152 = arith.index_cast %swap3A_151 : i32 to index
    %swap3A_153 = arith.constant 64 : index
    %swap3A_154 = tpu.vector_load %arg7[%swap3A_152, %swap3A_153] {strides = array<i32>} : memref<3x128xf32, #tpu.memory_space<vmem>>, vector<1x16xf32>,
    %swap3A_155 = vector.shape_cast %swap3A_154 : vector<1x16xf32> to vector<16xf32>
    %swap3A_156 = vector.shape_cast %scan3A_78#12 : vector<16xf32> to vector<1x16xf32>
    tpu.vector_store %arg7[%swap3A_152, %swap3A_153], %swap3A_156 {strides = array<i32>} : memref<3x128xf32, #tpu.memory_space<vmem>>, vector<1x16xf32>,
    %swap3A_157 = arith.constant 1 : i32
    %swap3A_158 = arith.index_cast %swap3A_157 : i32 to index
    %swap3A_159 = arith.constant 80 : index
    %swap3A_160 = tpu.vector_load %arg7[%swap3A_158, %swap3A_159] {strides = array<i32>} : memref<3x128xf32, #tpu.memory_space<vmem>>, vector<1x16xf32>,
    %swap3A_161 = vector.shape_cast %swap3A_160 : vector<1x16xf32> to vector<16xf32>
    %swap3A_162 = vector.shape_cast %scan3A_78#13 : vector<16xf32> to vector<1x16xf32>
    tpu.vector_store %arg7[%swap3A_158, %swap3A_159], %swap3A_162 {strides = array<i32>} : memref<3x128xf32, #tpu.memory_space<vmem>>, vector<1x16xf32>,
    %swap3A_163 = arith.constant 1 : i32
    %swap3A_164 = arith.index_cast %swap3A_163 : i32 to index
    %swap3A_165 = arith.constant 96 : index
    %swap3A_166 = tpu.vector_load %arg7[%swap3A_164, %swap3A_165] {strides = array<i32>} : memref<3x128xf32, #tpu.memory_space<vmem>>, vector<1x16xf32>,
    %swap3A_167 = vector.shape_cast %swap3A_166 : vector<1x16xf32> to vector<16xf32>
    %swap3A_168 = vector.shape_cast %scan3A_78#14 : vector<16xf32> to vector<1x16xf32>
    tpu.vector_store %arg7[%swap3A_164, %swap3A_165], %swap3A_168 {strides = array<i32>} : memref<3x128xf32, #tpu.memory_space<vmem>>, vector<1x16xf32>,
    %swap3A_169 = arith.constant 1 : i32
    %swap3A_170 = arith.index_cast %swap3A_169 : i32 to index
    %swap3A_171 = arith.constant 112 : index
    %swap3A_172 = tpu.vector_load %arg7[%swap3A_170, %swap3A_171] {strides = array<i32>} : memref<3x128xf32, #tpu.memory_space<vmem>>, vector<1x16xf32>,
    %swap3A_173 = vector.shape_cast %swap3A_172 : vector<1x16xf32> to vector<16xf32>
    %swap3A_174 = vector.shape_cast %scan3A_78#15 : vector<16xf32> to vector<1x16xf32>
    tpu.vector_store %arg7[%swap3A_170, %swap3A_171], %swap3A_174 {strides = array<i32>} : memref<3x128xf32, #tpu.memory_space<vmem>>, vector<1x16xf32>,
    %swap3A_175 = arith.constant 2 : i32
    %swap3A_176 = arith.index_cast %swap3A_175 : i32 to index
    %swap3A_177 = arith.constant 0 : index
    %swap3A_178 = tpu.vector_load %arg7[%swap3A_176, %swap3A_177] {strides = array<i32>} : memref<3x128xf32, #tpu.memory_space<vmem>>, vector<1x16xf32>,
    %swap3A_179 = vector.shape_cast %swap3A_178 : vector<1x16xf32> to vector<16xf32>
    %swap3A_180 = vector.shape_cast %scan3A_78#16 : vector<16xf32> to vector<1x16xf32>
    tpu.vector_store %arg7[%swap3A_176, %swap3A_177], %swap3A_180 {strides = array<i32>} : memref<3x128xf32, #tpu.memory_space<vmem>>, vector<1x16xf32>,
    %swap3A_181 = arith.constant 2 : i32
    %swap3A_182 = arith.index_cast %swap3A_181 : i32 to index
    %swap3A_183 = arith.constant 16 : index
    %swap3A_184 = tpu.vector_load %arg7[%swap3A_182, %swap3A_183] {strides = array<i32>} : memref<3x128xf32, #tpu.memory_space<vmem>>, vector<1x16xf32>,
    %swap3A_185 = vector.shape_cast %swap3A_184 : vector<1x16xf32> to vector<16xf32>
    %swap3A_186 = vector.shape_cast %scan3A_78#17 : vector<16xf32> to vector<1x16xf32>
    tpu.vector_store %arg7[%swap3A_182, %swap3A_183], %swap3A_186 {strides = array<i32>} : memref<3x128xf32, #tpu.memory_space<vmem>>, vector<1x16xf32>,
    %swap3A_187 = arith.constant 2 : i32
    %swap3A_188 = arith.index_cast %swap3A_187 : i32 to index
    %swap3A_189 = arith.constant 32 : index
    %swap3A_190 = tpu.vector_load %arg7[%swap3A_188, %swap3A_189] {strides = array<i32>} : memref<3x128xf32, #tpu.memory_space<vmem>>, vector<1x16xf32>,
    %swap3A_191 = vector.shape_cast %swap3A_190 : vector<1x16xf32> to vector<16xf32>
    %swap3A_192 = vector.shape_cast %scan3A_78#18 : vector<16xf32> to vector<1x16xf32>
    tpu.vector_store %arg7[%swap3A_188, %swap3A_189], %swap3A_192 {strides = array<i32>} : memref<3x128xf32, #tpu.memory_space<vmem>>, vector<1x16xf32>,
    %swap3A_193 = arith.constant 2 : i32
    %swap3A_194 = arith.index_cast %swap3A_193 : i32 to index
    %swap3A_195 = arith.constant 48 : index
    %swap3A_196 = tpu.vector_load %arg7[%swap3A_194, %swap3A_195] {strides = array<i32>} : memref<3x128xf32, #tpu.memory_space<vmem>>, vector<1x16xf32>,
    %swap3A_197 = vector.shape_cast %swap3A_196 : vector<1x16xf32> to vector<16xf32>
    %swap3A_198 = vector.shape_cast %scan3A_78#19 : vector<16xf32> to vector<1x16xf32>
    tpu.vector_store %arg7[%swap3A_194, %swap3A_195], %swap3A_198 {strides = array<i32>} : memref<3x128xf32, #tpu.memory_space<vmem>>, vector<1x16xf32>,
    %swap3A_199 = arith.constant 2 : i32
    %swap3A_200 = arith.index_cast %swap3A_199 : i32 to index
    %swap3A_201 = arith.constant 64 : index
    %swap3A_202 = tpu.vector_load %arg7[%swap3A_200, %swap3A_201] {strides = array<i32>} : memref<3x128xf32, #tpu.memory_space<vmem>>, vector<1x16xf32>,
    %swap3A_203 = vector.shape_cast %swap3A_202 : vector<1x16xf32> to vector<16xf32>
    %swap3A_204 = vector.shape_cast %scan3A_78#20 : vector<16xf32> to vector<1x16xf32>
    tpu.vector_store %arg7[%swap3A_200, %swap3A_201], %swap3A_204 {strides = array<i32>} : memref<3x128xf32, #tpu.memory_space<vmem>>, vector<1x16xf32>,
    %swap3A_205 = arith.constant 2 : i32
    %swap3A_206 = arith.index_cast %swap3A_205 : i32 to index
    %swap3A_207 = arith.constant 80 : index
    %swap3A_208 = tpu.vector_load %arg7[%swap3A_206, %swap3A_207] {strides = array<i32>} : memref<3x128xf32, #tpu.memory_space<vmem>>, vector<1x16xf32>,
    %swap3A_209 = vector.shape_cast %swap3A_208 : vector<1x16xf32> to vector<16xf32>
    %swap3A_210 = vector.shape_cast %scan3A_78#21 : vector<16xf32> to vector<1x16xf32>
    tpu.vector_store %arg7[%swap3A_206, %swap3A_207], %swap3A_210 {strides = array<i32>} : memref<3x128xf32, #tpu.memory_space<vmem>>, vector<1x16xf32>,
    %swap3A_211 = arith.constant 2 : i32
    %swap3A_212 = arith.index_cast %swap3A_211 : i32 to index
    %swap3A_213 = arith.constant 96 : index
    %swap3A_214 = tpu.vector_load %arg7[%swap3A_212, %swap3A_213] {strides = array<i32>} : memref<3x128xf32, #tpu.memory_space<vmem>>, vector<1x16xf32>,
    %swap3A_215 = vector.shape_cast %swap3A_214 : vector<1x16xf32> to vector<16xf32>
    %swap3A_216 = vector.shape_cast %scan3A_78#22 : vector<16xf32> to vector<1x16xf32>
    tpu.vector_store %arg7[%swap3A_212, %swap3A_213], %swap3A_216 {strides = array<i32>} : memref<3x128xf32, #tpu.memory_space<vmem>>, vector<1x16xf32>,
    %swap3A_217 = arith.constant 2 : i32
    %swap3A_218 = arith.index_cast %swap3A_217 : i32 to index
    %swap3A_219 = arith.constant 112 : index
    %swap3A_220 = tpu.vector_load %arg7[%swap3A_218, %swap3A_219] {strides = array<i32>} : memref<3x128xf32, #tpu.memory_space<vmem>>, vector<1x16xf32>,
    %swap3A_221 = vector.shape_cast %swap3A_220 : vector<1x16xf32> to vector<16xf32>
    %swap3A_222 = vector.shape_cast %scan3A_78#23 : vector<16xf32> to vector<1x16xf32>
    tpu.vector_store %arg7[%swap3A_218, %swap3A_219], %swap3A_222 {strides = array<i32>} : memref<3x128xf32, #tpu.memory_space<vmem>>, vector<1x16xf32>,
    "tpu.region"() ({
      %run_scoped3A = tpu.sem_alloc : memref<!tpu.dma_semaphore, #tpu.memory_space<semaphore_mem>>
      %dma_start3A_223 = arith.constant 0 : i32
      %dma_start3A_224 = tpu.memref_slice %arg4[%dma_start3A_223, %mul3A_2] : memref<3x4096xf32, #tpu.memory_space<hbm>> -> memref<3x128xf32, #tpu.memory_space<hbm>>
      %dma_start3A_225 = arith.constant 0 : i32
      %dma_start3A_226 = tpu.memref_slice %arg4[%dma_start3A_225, %mul3A_2] : memref<3x4096xf32, #tpu.memory_space<hbm>> -> memref<3x128xf32, #tpu.memory_space<hbm>>
      tpu.enqueue_dma source(%arg7 : memref<3x128xf32, #tpu.memory_space<vmem>>) target(%dma_start3A_226 : memref<3x128xf32, #tpu.memory_space<hbm>>) target_semaphore(%run_scoped3A : memref<!tpu.dma_semaphore, #tpu.memory_space<semaphore_mem>>)
      %dma_wait3A = arith.constant 0 : i32
      %dma_wait3A_227 = tpu.memref_slice %arg4[%dma_wait3A, %mul3A_2] : memref<3x4096xf32, #tpu.memory_space<hbm>> -> memref<3x128xf32, #tpu.memory_space<hbm>>
      %dma_wait3A_228 = arith.constant 0 : i32
      %dma_wait3A_229 = tpu.memref_slice %arg4[%dma_wait3A_228, %mul3A_2] : memref<3x4096xf32, #tpu.memory_space<hbm>> -> memref<3x128xf32, #tpu.memory_space<hbm>>
      tpu.wait_dma2 semaphore(%run_scoped3A : memref<!tpu.dma_semaphore, #tpu.memory_space<semaphore_mem>>) src(%arg7 : memref<3x128xf32, #tpu.memory_space<vmem>>) dst(%dma_wait3A_229 : memref<3x128xf32, #tpu.memory_space<hbm>>)
      tpu.yield
    }) : () -> ()
    return
  }
}

module attributes {stable_mosaic.version = 14 : i64} {
  func.func @_tc_kernel(%arg0: i32, %arg1: memref<512x4096xf32, #tpu.memory_space<vmem>>, %arg2: memref<3x20000xf32, #tpu.memory_space<vmem>>, %arg3: memref<3x4096xf32, #tpu.memory_space<vmem>>) attributes {dimension_semantics = [#tpu.dimension_semantics<arbitrary>], iteration_bounds = array<i64: 30>, scalar_prefetch = 0 : i64, scratch_operands = 0 : i64, tpu.core_type = #tpu.core_type<tc>, window_params = [{transform_indices = @transform_0, window_bounds = array<i64: 512, 4096>}, {pipeline_mode = #tpu.pipeline_mode<synchronous>, transform_indices = @transform_1, window_bounds = array<i64: 3, 20000>}, {pipeline_mode = #tpu.pipeline_mode<synchronous>, transform_indices = @transform_2, window_bounds = array<i64: 3, 4096>}]} {
    %get3A = arith.constant 0 : index
    %get3A_0 = arith.constant 0 : index
    %get3A_1 = vector.load %arg1[%get3A, %get3A_0] : memref<512x4096xf32, #tpu.memory_space<vmem>>, vector<512x4096xf32>
    %convert_element_type3A = arith.truncf %get3A_1 : vector<512x4096xf32> to vector<512x4096xbf16>
    %mul3A = arith.constant 512 : i32
    %mul3A_2 = arith.muli %arg0, %mul3A : i32
    %get3A_3 = arith.constant 0 : index
    %get3A_4 = arith.index_cast %mul3A_2 : i32 to index
    %get3A_5 = vector.load %arg2[%get3A_3, %get3A_4] : memref<3x20000xf32, #tpu.memory_space<vmem>>, vector<3x512xf32>
    %convert_element_type3A_6 = arith.truncf %get3A_5 : vector<3x512xf32> to vector<3x512xbf16>
    %dot_general3A = arith.constant dense<0.000000e+00> : vector<3x4096xf32>
    %dot_general3A_7 = tpu.matmul %convert_element_type3A_6, %convert_element_type3A, %dot_general3A {dimension_numbers = #tpu.dot_dimension_numbers<[1], [0], [0], [1], [0, 0, 1, 1], [], []>, transpose_lhs_hint = false} : vector<3x512xbf16>, vector<512x4096xbf16>, vector<3x4096xf32> -> vector<3x4096xf32>
    %eq3A = arith.constant 0 : i32
    %eq3A_8 = arith.cmpi eq, %arg0, %eq3A : i32
    %convert_element_type3A_9 = arith.extui %eq3A_8 : i1 to i32
    %cond3A = arith.constant 0 : i32
    %cond3A_10 = arith.cmpi ne, %convert_element_type3A_9, %cond3A : i32
    scf.if %cond3A_10 {
      %swap3A = arith.constant 0 : index
      %swap3A_15 = arith.constant 0 : index
      %swap3A_16 = vector.load %arg3[%swap3A, %swap3A_15] : memref<3x4096xf32, #tpu.memory_space<vmem>>, vector<3x4096xf32>
      tpu.vector_store %arg3[%swap3A, %swap3A_15], %dot_general3A_7 {strides = array<i32>} : memref<3x4096xf32, #tpu.memory_space<vmem>>, vector<3x4096xf32>,
    } else {
    }
    %ne3A = arith.constant 0 : i32
    %ne3A_11 = arith.cmpi ne, %arg0, %ne3A : i32
    %convert_element_type3A_12 = arith.extui %ne3A_11 : i1 to i32
    %cond3A_13 = arith.constant 0 : i32
    %cond3A_14 = arith.cmpi ne, %convert_element_type3A_12, %cond3A_13 : i32
    scf.if %cond3A_14 {
      %get3A_15 = arith.constant 0 : index
      %get3A_16 = arith.constant 0 : index
      %get3A_17 = vector.load %arg3[%get3A_15, %get3A_16] : memref<3x4096xf32, #tpu.memory_space<vmem>>, vector<3x4096xf32>
      %add3A = arith.addf %get3A_17, %dot_general3A_7 : vector<3x4096xf32>
      %swap3A = arith.constant 0 : index
      %swap3A_18 = arith.constant 0 : index
      %swap3A_19 = vector.load %arg3[%swap3A, %swap3A_18] : memref<3x4096xf32, #tpu.memory_space<vmem>>, vector<3x4096xf32>
      tpu.vector_store %arg3[%swap3A, %swap3A_18], %add3A {strides = array<i32>} : memref<3x4096xf32, #tpu.memory_space<vmem>>, vector<3x4096xf32>,
    } else {
    }
    return
  }
  func.func @transform_0(%arg0: i32) -> (i32, i32) {
    %c0_i32 = arith.constant 0 : i32
    %c0_i32_0 = arith.constant 0 : i32
    return %arg0, %c0_i32 : i32, i32
  }
  func.func @transform_1(%arg0: i32) -> (i32, i32) {
    %c0_i32 = arith.constant 0 : i32
    %c0_i32_0 = arith.constant 0 : i32
    %c0_i32_1 = arith.constant 0 : i32
    return %c0_i32, %c0_i32_0 : i32, i32
  }
  func.func @transform_2(%arg0: i32) -> (i32, i32) {
    %c0_i32 = arith.constant 0 : i32
    %c0_i32_0 = arith.constant 0 : i32
    %c0_i32_1 = arith.constant 0 : i32
    return %c0_i32, %c0_i32_0 : i32, i32
  }
}

</mosaic_0001>

<sc_bundles>
// kernel: kernel.4.cloned.1.call-start
scs
__scs_entry_jumppad:
0x0: {  	(pc) =	sbr.rel $0x88, $3  }
0x1: {  	(tag) =	ssettag $0x0;
	lr =	simm.s32 $0x1  }
0x2: {  	[smem:$0x3F9E] =	sst lr;
	_ =	strace $0xD0000000  }
0x3: {  	_ = 	snop  }
0x4: {  	_ = 	snop  }
0x5: {  	_ = 	snop  }
0x6: {  	_ = 	snop  }
0x7: {  	_ = 	snop  }
__scs_overlays_trampoline_lowered:
0x8: {  	[smem:$0x3FAD] =	sst s0  }
0x9: {  	[smem:$0x3FAE] =	sst s1  }
0xa: {  	[smem:$0x3FAF] =	sst s2  }
0xb: {  	[smem:$0x3FB0] =	sst s3  }
0xc: {  	[smem:$0x3FB1] =	sst s4  }
0xd: {  	[smem:$0x3FB2] =	sst s5  }
0xe: {  	[smem:$0x3FB3] =	sst s6  }
0xf: {  	[smem:$0x3FB4] =	sst s7  }
0x10: {  	[smem:$0x3FB5] =	sst s8  }
0x11: {  	[smem:$0x3FB6] =	sst s9;
	s0 =	simm.s32 @!p0 $0x0  }
0x12: {  	s1 =	sld [smem:$0x3F9C];
	s0 =	simm.s32 @p0 $0x1  }
0x13: {  	[smem:$0x3FB7] =	sst s0;
	s0 =	simm.s32 @!p1 $0x0  }
0x14: {  	s2 =	sld [smem:$0x3F9B];
	s0 =	simm.s32 @p1 $0x1  }
0x15: {  	[smem:$0x3FB8] =	sst s0;
	s0 =	simm.s32 @!p2 $0x0  }
0x16: {  	s3 =	sld [smem:$0x3FDB];
	s0 =	simm.s32 @p2 $0x1  }
0x17: {  	s4 =	simm.s32 $0x1BF5;
	[smem:$0x3FBA] =	sst s0  }
0x18: {  	s0 =	sld [smem:$0x3F9D];
	_ =	swait.ge [sflag:s4], $0x0  }
0x19: {  	s7 =	sld [smem:$0x3F9E]  }
0x1a: {  	s8 =	sadd.s32 $0xFFFFE003, lr  }
0x1b: {  	s9 =	sadd.s32 $0xFFFFFEF7, lr;
	s5 =	simm.s32 $0xFFFFFFFF;
	p2 =	slt.u32 s8, $0xFFFFF086  }
0x1c: {  	p1 =	slt.u32 s9, $0xF7A;
	s5 =	simm.s32 @!p2 $0x0  }
0x1d: {  	s5 =	simm.s32 @p1 $0x1;
	p0 =	seq.s32 s7, s2  }
0x1e: {  	s7 =	smul.u32 @!p0 $0xF7A, s2;
	p2 =	seq.s32 @!p0 s5, $0x0  }
0x1f: {  	s9 =	smul.u32 $0xF7A, s1;
	s8 =	simm.s32 @!p0 $0x1BF5;
	p2 =	por !p2, p0  }
0x20: {  	[sflag:s8] =	ssyncset.s32 @!p0 $0xFFFFF086;
	s6 =	sadd.s32 @!p0 s3, s7;
	s7 =	simm.s32 @!p0 $0x108  }
0x21: {  	s3 =	sadd.s32 s3, s9;
	s6 =	sadd.s32 @!p0 $0x88, s6;
	s7 =	simm.s32 @p2 $0x1082  }
0x22: {  	[simem:s7], [sflag:s8] =	dma.local @!p0 [hbm:s6], $0xF7A  }
0x23: {  	s9 =	sor.u32 $0xD0000000, s2;
	s6 =	simm.s32 $0x108;
	_ =	swait.ge @!p0 [sflag:s8], $0x0  }
0x24: {  	s3 =	sadd.s32 $0x88, s3;
	s6 =	simm.s32 @!p1 $0x1082;
	[sflag:s4] =	ssyncset.s32 $0xFFFFF086  }
0x25: {  	[simem:s6], [sflag:s4] =	dma.local [hbm:s3], $0xF7A  }
0x26: {  	[smem:$0x3F9E] =	sst s1;
	(tag) =	ssettag s2;
	_ =	strace s9  }
0x27: {  	s1 =	sld [smem:$0x3FAE]  }
0x28: {  	s2 =	sld [smem:$0x3FAF]  }
0x29: {  	s4 =	sld [smem:$0x3FB1]  }
0x2a: {  	p0 =	seq.s32 s5, $0x0;
	s5 =	sld [smem:$0x3FB2]  }
0x2b: {  	s6 =	sld [smem:$0x3FB3]  }
0x2c: {  	s7 =	sld [smem:$0x3FB4]  }
0x2d: {  	s3 =	simm.s32 $0x108;
	s8 =	sld [smem:$0x3FB5]  }
0x2e: {  	s3 =	simm.s32 @!p0 $0x1082;
	s9 =	sld [smem:$0x3FB6]  }
0x2f: {  	lr =	sadd.s32 s0, s3;
	s0 =	sld [smem:$0x3FAD]  }
0x30: {  	s3 =	sld [smem:$0x3FB0]  }
0x31: {  	[smem:$0x3FB9] =	sst s10  }
0x32: {  	s10 =	sld [smem:$0x3FB7];
	_ =	sdelay $0x3  }
0x33: {  	p0 =	seq.s32 s10, $0x1;
	s10 =	sld [smem:$0x3FB9];
	_ =	sdelay $0x3  }
0x34: {  	[smem:$0x3FB9] =	sst s10  }
0x35: {  	s10 =	sld [smem:$0x3FB8];
	_ =	sdelay $0x3  }
0x36: {  	p1 =	seq.s32 s10, $0x1;
	s10 =	sld [smem:$0x3FB9];
	_ =	sdelay $0x3  }
0x37: {  	[smem:$0x3FB9] =	sst s10  }
0x38: {  	s10 =	sld [smem:$0x3FBA]  }
0x39: {  	_ = 	snop;
	(pc) =	sbr.ind lr, $3  }
0x3a: {  	_ = 	snop  }
0x3b: {  	_ = 	snop  }
0x3c: {  	p2 =	seq.s32 s10, $0x1;
	s10 =	sld [smem:$0x3FB9]  }
0x3d: {  	_ =	shalt  }
0x3e: {  	_ =	shalt  }
0x3f: {  	_ =	shalt  }
0x40: {  	_ =	shalt  }
0x41: {  	_ =	shalt  }
0x42: {  	_ =	shalt  }
0x43: {  	_ =	shalt  }
0x44: {  	_ =	shalt  }
0x45: {  	_ =	shalt  }
0x46: {  	_ =	shalt  }
0x47: {  	_ =	shalt  }
0x48: {  	_ =	shalt  }
0x49: {  	_ =	shalt  }
0x4a: {  	_ =	shalt  }
0x4b: {  	_ =	shalt  }
0x4c: {  	_ =	shalt  }
0x4d: {  	_ =	shalt  }
0x4e: {  	_ =	shalt  }
0x4f: {  	_ =	shalt  }
0x50: {  	_ =	shalt  }
0x51: {  	_ =	shalt  }
0x52: {  	_ =	shalt  }
0x53: {  	_ =	shalt  }
0x54: {  	_ =	shalt  }
0x55: {  	_ =	shalt  }
0x56: {  	_ =	shalt  }
0x57: {  	_ =	shalt  }
0x58: {  	_ =	shalt  }
0x59: {  	_ =	shalt  }
0x5a: {  	_ =	shalt  }
0x5b: {  	_ =	shalt  }
0x5c: {  	_ =	shalt  }
0x5d: {  	_ =	shalt  }
0x5e: {  	_ =	shalt  }
0x5f: {  	_ =	shalt  }
0x60: {  	_ =	shalt  }
0x61: {  	_ =	shalt  }
0x62: {  	_ =	shalt  }
0x63: {  	_ =	shalt  }
0x64: {  	_ =	shalt  }
0x65: {  	_ =	shalt  }
0x66: {  	_ =	shalt  }
0x67: {  	_ =	shalt  }
0x68: {  	_ =	shalt  }
0x69: {  	_ =	shalt  }
0x6a: {  	_ =	shalt  }
0x6b: {  	_ =	shalt  }
0x6c: {  	_ =	shalt  }
0x6d: {  	_ =	shalt  }
0x6e: {  	_ =	shalt  }
0x6f: {  	_ =	shalt  }
0x70: {  	_ =	shalt  }
0x71: {  	_ =	shalt  }
0x72: {  	_ =	shalt  }
0x73: {  	_ =	shalt  }
0x74: {  	_ =	shalt  }
0x75: {  	_ =	shalt  }
0x76: {  	_ =	shalt  }
0x77: {  	_ =	shalt  }
0x78: {  	_ =	shalt  }
0x79: {  	_ =	shalt  }
0x7a: {  	_ =	shalt  }
0x7b: {  	_ =	shalt  }
0x7c: {  	_ =	shalt  }
0x7d: {  	_ =	shalt  }
0x7e: {  	_ =	shalt  }
0x7f: {  	_ =	shalt  }
0x80: {  	_ =	shalt  }
0x81: {  	_ =	shalt  }
0x82: {  	_ =	shalt  }
0x83: {  	_ =	shalt  }
0x84: {  	_ =	shalt  }
0x85: {  	_ =	shalt  }
0x86: {  	_ =	shalt  }
0x87: {  	_ =	shalt  }
.Lfunc_end0:
.L_simem_size_0:
called_computation_lowered:
.L_overlay_start_0:
0x88: {  	s2 =	sld [smem:$0x3FD9]  }
0x89: {  	s3 =	sld [smem:$0x3FFE];
	_ =	sdelay $0x1  }
0x8a: {  	s1 =	srdreg.scid  }
0x8b: {  	s0 =	sand.u32 $0x1, s1  }
0x8c: {  	s17 =	sshll.u32 s0, $0xA;
	s2 =	sadd.s32 s3, s2  }
0x8d: {  	s2 =	sadd.s32 s2, s17  }
0x8e: {  	[smem:$0x3FC5] =	sst s2  }
0x8f: {  	_ = 	snop  }
0x90: {  	s2 =	sld [smem:$0x3FC8];
	(tm) =	ssettm $0x1  }
0x91: {  	s18 =	sld [smem:$0x3FFB];
	_ =	sdelay $0x3  }
0x92: {  	_ =	strace s18  }
0x93: {  	s3 =	sld [smem:$0x3FFC];
	_ =	sdelay $0x3  }
0x94: {  	_ =	strace s3  }
0x95: {  	s3 =	sld [smem:$0x3FFD];
	_ =	sdelay $0x3  }
0x96: {  	_ =	strace s3  }
0x97: {  	_ =	strace $0x8FFFFFFF  }
0x98: {  	s19 =	sld [smem:$0x3FDB];
	_ =	sdelay $0x1  }
0x99: {  	s4 =	simm.s32 $_scs_section_size  }
0x9a: {  	s5 =	simm.s32 $_size__tile_overlayer_lowered;
	s6 =	simm.s32 $_tile_overlayer_lowered  }
0x9b: {  	s22 =	simm.s32 $0x1BFF;
	s21 =	sshll.u32 s6, $0x1;
	s3 =	sadd.s32 s4, s19  }
0x9c: {  	s7 =	simm.s32 $0x0;
	s20 =	sshll.u32 s5, $0x1;
	s5 =	sadd.s32 s21, s3  }
0x9d: {  	[timem:s7], [sflag:s22] =	dma.local [hbm:s5], s20  }
0x9e: {  	_ =	swait.ge [sflag:s22], s20  }
0x9f: {  	s4 =	ssub.s32 $0x0, s20;
	[sflag:s22] =	ssyncset.done $0x0  }
0xa0: {  	[sflag:s22] =	ssyncadd.s32 s4;
	_ =	sdelay $0x1  }
0xa1: {  	s23 =	simm.s32 $0x1B8B  }
0xa2: {  	_ =	swait.ge [sflag:s23], $0x1  }
0xa3: {  	[sflag:s23] =	ssyncset.done $0x0  }
0xa4: {  	s25 =	simm.s32 $0x1B8E;
	s24 =	sld [smem:$0x3FFE];
	[sflag:s23] =	ssyncadd.s32 $0xFFFFFFFF  }
0xa5: {  	s26 =	simm.s32 $execute0_lowered;
	[smem:$0x3FD2] =	sst s25  }
0xa6: {  	s5 =	sshll.u32 s26, $0x1;
	_ =	strace $0x80000046;
	[dreg:$0x1] =	wrdreg $0xFFFFFFFF  }
0xa7: {  	s28 =	simm.s32 $_size_execute0_lowered;
	s3 =	sadd.s32 s3, s5;
	[dreg:$0x0] =	wrdreg $0x0  }
0xa8: {  	s5 =	sshll.u32 s28, $0x1;
	[dreg:$0x2] =	wrdreg s3  }
0xa9: {  	[dreg:$0x3] =	wrdreg s5  }
0xaa: {  	[dreg:$0x4] =	wrdreg $0xC0  }
0xab: {  	_ =	task [dreg:s7], $0x5FFFF  }
0xac: {  	[dreg:$0x1] =	wrdreg $0xFFFFFFFF  }
0xad: {  	[dreg:$0x0] =	wrdreg $0x60  }
0xae: {  	[dreg:$0x2] =	wrdreg s2  }
0xaf: {  	[dreg:$0x3] =	wrdreg s24  }
0xb0: {  	[dreg:$0x4] =	wrdreg $0x9  }
0xb1: {  	_ =	task.clear_ibuf [dreg:s7], $0x5FFFF;
	_ =	strace $0x90000046  }
0xb2: {  	s29 =	simm.s32 $0x9;
	_ =	strace $0x80000048  }
0xb3: {  	_ =	swait.ge [sflag:s29], $0x1  }
0xb4: {  	[sflag:s29] =	ssyncadd.s32 $0xFFFFFFFF  }
0xb5: {  	_ =	strace $0x90000048  }
0xb6: {  	_ =	sfence  }
0xb7: {  	s30 =	sld [smem:$0x0];
	_ =	sdelay $0x2  }
0xb8: {  	s31 =	sshll.u32 s1, $0xD;
	s1 =	sshrl.u32 s1, $0x2  }
0xb9: {  	s3 =	sand.u32 $0x4000, s31;
	s1 =	sadd.s32 s1, s30  }
0xba: {  	s0 =	sor.u32 s3, s0;
	s1 =	sshll.u32 s1, $0x11  }
0xbb: {  	s0 =	sor.u32 s1, s0  }
0xbc: {  	s0 =	sadd.s32 $0x8F2B, s0  }
0xbd: {  	[sflag:s0] =	ssyncadd.remote.s32 $0x1  }
0xbe: {  	_ =	sfence.sel $0xFFFF  }
0xbf: {  	[dreg:$0x0] =	wrdreg $0xFFFFFFFF;
	(pc) =	sbr.abs _section_cstart, $3  }
0xc0: {  	[dreg:$0x1] =	wrdreg $0xFFFFFFFF  }
0xc1: {  	_ =	task.clear_ibuf [dreg:s7], $0x2FFFF;
	_ =	strace $0x9FFFFFFF  }
0xc2: {  	(tm) =	ssettm $0x7FFFFFFF  }
0xc3: {  	_ =	shalt  }
tec
execute0_lowered:
.L_overlay_start_1:
0x0: {  	(tag) =	ssettag $0x1  }
0x1: {  	s4 =	rddreg [dreg:$0x0]  }
0x2: {  	s8 =	rddreg [dreg:$0x1]  }
0x3: {  	s0 =	rddreg [dreg:$0x2];
	s2 =	simm.s32 $0x0;
	s3 =	srdreg.scid  }
0x4: {  	s1 =	stileid.u32;
	s12 =	simm.s32 $0x8000;
	s13 =	simm.s32 $0xA000  }
0x5: {  	s14 =	simm.s32 $0x5000;
	s15 =	simm.s32 $0xF000;
	s16 =	simm.s32 $0x200  }
0x6: {  	s17 =	simm.s32 $0x4000;
	s18 =	simm.s32 $0x14000;
	s19 =	simm.s32 $0x5  }
0x7: {  	s20 =	simm.s32 $0x0;
	s5 =	sand.u32 $0x1, s3;
	s31 =	sshll.u32 s1, $0x1  }
0x8: {  	[smem:$0x7FF] =	sst s2;
	s3 =	sadd.s32 $0x400, s8;
	s6 =	sor.u32 s5, s31  }
0x9: {  	_ =	strace $0x80000047;
	s5 =	ssub.s32 $0x2, s5;
	s7 =	sshll.u32 s6, $0x7  }
0xa: {  	s6 =	sshll.u32 s6, $0x6;
	s9 =	sshrl.u32 s5, $0x1;
	s4 =	sadd.s32 s4, s7  }
0xb: {  	s10 =	sadd.s32 s6, s8;
	s11 =	ssub.s32 s5, s9;
	s6 =	sadd.s32 $0x3C400, s8  }
0xc: {  	s8 =	sadd.s32 $0x3CE00, s8;
	s5 =	sadd.s32 $0x780000, s4;
	s7 =	sadd.s32 $0x794000, s4  }
0xd: {  	s9 =	sadd.s32 $0x4E600, s10;
	s10 =	smax.u32 s11, $0x1;
	s11 =	simm.s32 $0x400  }
.LBB2_1:
0xe: {  	v0 =	vimm.f32 $0.0e+00;
	v14 =	vimm.f32 $0.0e+00;
	v24 =	vimm.f32 $0.0e+00  }
0xf: {  	[tilespmem:s2], [sflag:$0x1] =	stream.strided.gather [hbm4b:s5+s11], $0x5000, s12, s11, $0x38;
	v22 =	vimm.f32 $0.0e+00;
	v21 =	vimm.f32 $0.0e+00;
	v12 =	vimm.f32 $0.0e+00;
	[tilespmem:$0x14200] =	vst v63  }
0x10: {  	v25 =	vimm.f32 $0.0e+00;
	v18 =	vimm.f32 $0.0e+00;
	v8 =	vimm.f32 $0.0e+00  }
0x11: {  	v7 =	vimm.f32 $0.0e+00;
	v13 =	vimm.f32 $0.0e+00;
	v16 =	vimm.f32 $0.0e+00;
	[tilespmem:s13], [sflag:$0x2] =	stream.linear.gather [hbm4b:s6+s2], $0x5000, $0x38;
	[tilespmem:$0x14200] =	vst v63  }
0x12: {  	v2 =	vimm.f32 $0.0e+00;
	v19 =	vimm.f32 $0.0e+00;
	v1 =	vimm.f32 $0.0e+00  }
0x13: {  	v17 =	vimm.f32 $0.0e+00;
	v9 =	vimm.f32 $0.0e+00;
	v26 =	vimm.f32 $0.0e+00;
	[tilespmem:s14], [sflag:$0x3] =	stream.strided.gather [hbm4b:s7+s11], $0x5000, s12, s11, $0x38;
	[tilespmem:$0x14200] =	vst v63  }
0x14: {  	v15 =	vimm.f32 $0.0e+00;
	v3 =	vimm.f32 $0.0e+00;
	v11 =	vimm.f32 $0.0e+00;
	p0 =	por $0x0, $0x0;
	s21 =	simm.s32 $0x0  }
0x15: {  	v23 =	vimm.f32 $0.0e+00;
	v20 =	vimm.f32 $0.0e+00;
	v10 =	vimm.f32 $0.0e+00;
	[tilespmem:s15], [sflag:$0x4] =	stream.linear.gather [hbm4b:s8+s2], $0x5000, $0x38;
	[tilespmem:$0x14200] =	vst v63  }
.LBB2_2:
0x16: {  	s22 =	simm.s32 $0x1  }
0x17: {  	s22 =	simm.s32 @!p0 $0x0  }
0x18: {  	s22 =	smul.u32 $0x14000, s22  }
0x19: {  	s24 =	sand.u32 $0x1, s21  }
0x1a: {  	s23 =	sshllo.u32 s24, $0x1;
	s25 =	sshrl.u32 s22, $0x2  }
0x1b: {  	_ =	swait.ge [sflag:s23], $0x5000;
	s22 =	sor.u32 $0x70, s25  }
0x1c: {  	s26 =	sshll.u32 s24, $0x1;
	[sflag:s23] =	ssyncset.done $0x0;
	v4 =	vmov s22  }
0x1d: {  	[sflag:s23] =	ssyncadd.s32 $0xFFFFB000;
	s22 =	sadd.s32 $0x2, s26  }
0x1e: {  	_ =	swait.ge [sflag:s22], $0x5000  }
0x1f: {  	s25 =	sadd.s32 $0xA010, s25;
	[sflag:s22] =	ssyncset.done $0x0  }
0x20: {  	s31 =	simm.s32 $0x0;
	v6 =	vmov s25;
	[sflag:s22] =	ssyncadd.s32 $0xFFFFB000  }
0x21: {  	v27 =	vld.idx.msk [tilespmem:v4+s31+$0xFFFFFFD0 ss:$0x1], $0xffff  }
0x22: {  	v5 =	vld.idx.msk [tilespmem:v4+s31+$0xFFFFFFB0 ss:$0x1], $0xffff  }
0x23: {  	v32 =	vld.idx.msk [tilespmem:v4+s31+$0xFFFFFFC0 ss:$0x1], $0xffff  }
0x24: {  	v28 =	vld.idx.msk [tilespmem:v4+s31+$0xFFFFFF90 ss:$0x1], $0xffff  }
0x25: {  	v34 =	vld.idx.msk [tilespmem:v6+s31+$0x10 ss:$0x1], $0xffff  }
0x26: {  	v29 =	vld.idx.msk [tilespmem:v4+s31+$0xFFFFFFA0 ss:$0x1], $0xffff  }
0x27: {  	v36 =	vld.idx.msk [tilespmem:v6+s31+$0xFFFFFFF0 ss:$0x1], $0xffff  }
0x28: {  	v39 =	vld.idx.msk [tilespmem:v6+s31+$0x0 ss:$0x1], $0xffff  }
0x29: {  	v33 =	vld.idx.msk [tilespmem:v4+s31+$0xFFFFFFE0 ss:$0x1], $0xffff  }
0x2a: {  	v30 =	vmul.f32 v34, v28  }
0x2b: {  	v38 =	vmul.f32 v34, v5;
	v35 =	vmul.f32 v34, v29  }
0x2c: {  	v44 =	vld.idx.msk [tilespmem:v4+s31+$0xFFFFFFF0 ss:$0x1], $0xffff;
	v40 =	vmul.f32 v34, v27;
	v31 =	vmul.f32 v28, v36  }
0x2d: {  	v41 =	vmul.f32 v34, v32;
	v28 =	vmul.f32 v39, v28  }
0x2e: {  	v42 =	vmul.f32 v34, v33;
	v43 =	vmul.f32 v29, v36  }
0x2f: {  	v45 =	vmul.f32 v5, v36;
	v47 =	vmul.f32 v39, v33  }
0x30: {  	v48 =	vmul.f32 v32, v36;
	v49 =	vmul.f32 v33, v36  }
0x31: {  	s25 =	simm.s32 $0x80;
	v46 =	vld.idx.msk [tilespmem:v4+s31+$0x0 ss:$0x1], $0xffff;
	v62 =	vmul.f32 v39, v44;
	v10 =	vadd.f32 v31, v10;
	v17 =	vadd.f32 v28, v17  }
0x32: {  	v37 =	vld.idx.msk [tilespmem:v4+s25+$0xFFFFFFB0 ss:$0x1], $0xffff;
	v31 =	vmul.f32 v39, v29;
	v18 =	vadd.f32 v30, v18;
	v25 =	vadd.f32 v35, v25  }
0x33: {  	v33 =	vld.idx.msk [tilespmem:v4+s25+$0xFFFFFFA0 ss:$0x1], $0xffff;
	v28 =	vmul.f32 v39, v5;
	v20 =	vadd.f32 v43, v20;
	v21 =	vadd.f32 v41, v21  }
0x34: {  	v30 =	vmul.f32 v27, v36;
	v5 =	vld.idx.msk [tilespmem:v4+s25+$0xFFFFFFD0 ss:$0x1], $0xffff;
	v22 =	vadd.f32 v40, v22;
	v23 =	vadd.f32 v45, v23  }
0x35: {  	v35 =	vld.idx.msk [tilespmem:v4+s25+$0xFFFFFF90 ss:$0x1], $0xffff;
	v19 =	vadd.f32 v28, v19;
	v28 =	vmul.f32 v39, v27;
	v27 =	vmul.f32 v34, v44  }
0x36: {  	v29 =	vld.idx.msk [tilespmem:v6+s25+$0x10 ss:$0x1], $0xffff;
	v24 =	vadd.f32 v42, v24;
	v44 =	vmul.f32 v44, v36;
	v36 =	vmul.f32 v46, v36  }
0x37: {  	v11 =	vadd.f32 v48, v11;
	v16 =	vadd.f32 v28, v16;
	v28 =	vld.idx.msk [tilespmem:v4+s25+$0xFFFFFFC0 ss:$0x1], $0xffff  }
0x38: {  	v63 =	vmul.f32 v39, v46;
	v12 =	vadd.f32 v38, v12;
	v9 =	vadd.f32 v36, v9;
	v36 =	vld.idx.msk [tilespmem:v6+s25+$0xFFFFFFF0 ss:$0x1], $0xffff  }
0x39: {  	v13 =	vadd.f32 v47, v13;
	v15 =	vadd.f32 v49, v15;
	v42 =	vmul.f32 v34, v46;
	v34 =	vld.idx.msk [tilespmem:v6+s25+$0x0 ss:$0x1], $0xffff  }
0x3a: {  	v38 =	vld.idx.msk [tilespmem:v4+s25+$0xFFFFFFE0 ss:$0x1], $0xffff;
	v43 =	vmul.f32 v39, v32;
	v7 =	vadd.f32 v62, v7;
	v8 =	vadd.f32 v63, v8  }
0x3b: {  	v14 =	vadd.f32 v27, v14;
	v40 =	vmul.f32 v29, v35;
	v32 =	vmul.f32 v29, v37  }
0x3c: {  	s24 =	smul.u32 $0x5000, s24;
	s26 =	simm.s32 $0x400;
	v27 =	vld.idx.msk [tilespmem:v4+s25+$0x0 ss:$0x1], $0xffff;
	v26 =	vadd.f32 v44, v26;
	v41 =	vmul.f32 v29, v33;
	v39 =	vmul.f32 v29, v5  }
.LBB2_3:
0x3d: {  	v44 =	vmul.f32 v35, v36;
	v46 =	vmul.f32 v29, v28  }
0x3e: {  	p1 =	sne.s32 s26, $0x13E00;
	v45 =	vld.idx.msk [tilespmem:v4+s25+$0xFFFFFFF0 ss:$0x1], $0xffff;
	s25 =	sshra.s32 s26, $0x2;
	s26 =	sadd.s32 $0x200, s26;
	v2 =	vadd.f32 v43, v2;
	v43 =	vmovc v28;
	v47 =	vmovc v29;
	v48 =	vmov v34;
	v49 =	vmov v36  }
0x3f: {  	v0 =	vadd.f32 v42, v0;
	v50 =	vld.idx.msk [tilespmem:v4+s25+$0xFFFFFFD0 ss:$0x1], $0xffff;
	v28 =	vmul.f32 v48, v35;
	v36 =	vmul.f32 v47, v38  }
0x40: {  	v3 =	vadd.f32 v30, v3;
	v29 =	vmul.f32 v33, v49;
	v42 =	vmul.f32 v37, v49;
	v51 =	vld.idx.msk [tilespmem:v4+s25+$0xFFFFFFB0 ss:$0x1], $0xffff  }
0x41: {  	v53 =	vmul.f32 v48, v38;
	v10 =	vadd.f32 v44, v10;
	v44 =	vmul.f32 v48, v33;
	v52 =	vld.idx.msk [tilespmem:v4+s25+$0xFFFFFFE0 ss:$0x1], $0xffff  }
0x42: {  	v18 =	vadd.f32 v40, v18;
	v33 =	vmul.f32 v48, v37;
	v17 =	vadd.f32 v28, v17;
	v54 =	vld.idx.msk [tilespmem:v4+s25+$0x0 ss:$0x1], $0xffff  }
0x43: {  	v30 =	vmul.f32 v5, v49;
	v25 =	vadd.f32 v41, v25;
	v37 =	vmul.f32 v43, v49;
	v28 =	vld.idx.msk [tilespmem:v4+s25+$0xFFFFFFC0 ss:$0x1], $0xffff  }
0x44: {  	v1 =	vadd.f32 v31, v1;
	v38 =	vmul.f32 v38, v49;
	v19 =	vadd.f32 v33, v19;
	v35 =	vld.idx.msk [tilespmem:v4+s25+$0xFFFFFF90 ss:$0x1], $0xffff  }
0x45: {  	v31 =	vmul.f32 v48, v5;
	v21 =	vadd.f32 v46, v21;
	v20 =	vadd.f32 v29, v20;
	v33 =	vld.idx.msk [tilespmem:v4+s25+$0xFFFFFFA0 ss:$0x1], $0xffff  }
0x46: {  	v22 =	vadd.f32 v39, v22;
	v40 =	vmul.f32 v48, v45;
	v46 =	vmul.f32 v47, v45;
	v29 =	vld.idx.msk [tilespmem:v6+s25+$0x10 ss:$0x1], $0xffff  }
0x47: {  	v39 =	vmul.f32 v48, v27;
	v23 =	vadd.f32 v42, v23;
	v24 =	vadd.f32 v36, v24;
	v34 =	vld.idx.msk [tilespmem:v6+s25+$0x0 ss:$0x1], $0xffff  }
0x48: {  	v12 =	vadd.f32 v32, v12;
	v11 =	vadd.f32 v37, v11;
	v45 =	vmul.f32 v45, v49;
	v36 =	vld.idx.msk [tilespmem:v6+s25+$0xFFFFFFF0 ss:$0x1], $0xffff  }
.Ltmp0:
0x49: {  	v41 =	vmul.f32 v27, v49;
	v13 =	vadd.f32 v53, v13;
	v5 =	vmovc v50;
	v14 =	vadd.f32 v46, v14;
	(pc) =	sbr.rel @p1 .LBB2_3-.Ltmp0, $4  }
0x4a: {  	v15 =	vadd.f32 v38, v15;
	v16 =	vadd.f32 v31, v16;
	v42 =	vmul.f32 v47, v27;
	v37 =	vmovc v51  }
0x4b: {  	v43 =	vmul.f32 v48, v43;
	v8 =	vadd.f32 v39, v8;
	v7 =	vadd.f32 v40, v7;
	v38 =	vmovc v52  }
0x4c: {  	v9 =	vadd.f32 v41, v9;
	v31 =	vmovc v44;
	v40 =	vmul.f32 v29, v35;
	v32 =	vmul.f32 v29, v37  }
0x4d: {  	v26 =	vadd.f32 v45, v26;
	v27 =	vmovc v54;
	v41 =	vmul.f32 v29, v33;
	v39 =	vmul.f32 v29, v5  }
0x4e: {  	_ =	sdelay $0x1  }
0x4f: {  	v6 =	vmul.f32 v35, v36;
	v44 =	vmul.f32 v29, v28  }
0x50: {  	v2 =	vadd.f32 v43, v2;
	v51 =	vmul.f32 v34, v35;
	v52 =	vmul.f32 v29, v38;
	p1 =	sgt.u32 s21, $0x1A  }
0x51: {  	v0 =	vadd.f32 v42, v0;
	v53 =	vmul.f32 v33, v36;
	v45 =	vmul.f32 v37, v36;
	v4 =	vld.idx.msk [tilespmem:v4+s25+$0xFFFFFFF0 ss:$0x1], $0xffff;
	s25 =	smul.u32 @!p1 $0xA0, s21  }
0x52: {  	v3 =	vadd.f32 v30, v3;
	v54 =	vmul.f32 v34, v38;
	v55 =	vmul.f32 v34, v37  }
0x53: {  	v18 =	vadd.f32 v40, v18;
	v56 =	vmul.f32 v28, v36;
	v1 =	vadd.f32 v31, v1;
	s25 =	sadd.s32 @!p1 $0x3D40, s25  }
0x54: {  	v57 =	vmul.f32 v38, v36;
	v12 =	vadd.f32 v32, v12;
	v25 =	vadd.f32 v41, v25;
	s26 =	sshll.u32 @!p1 s25, $0x9  }
0x55: {  	v58 =	vmul.f32 v34, v5;
	v22 =	vadd.f32 v39, v22;
	s28 =	simm.s32 @!p1 $0x400;
	s29 =	simm.s32 @!p1 $0x8000;
	v10 =	vadd.f32 v6, v10;
	s26 =	sadd.s32 @!p1 s26, s4  }
0x56: {  	v61 =	vmul.f32 v34, v27;
	v17 =	vadd.f32 v51, v17;
	v19 =	vadd.f32 v55, v19;
	[tilespmem:s24], [sflag:s23] =	stream.strided.gather @!p1 [hbm4b:s26+s28], $0x5000, s29, s28, $0x38;
	[tilespmem:$0x14200] =	vst v63  }
0x57: {  	v62 =	vmul.f32 v27, v36;
	s21 =	sadd.s32 $0x1, s21;
	v20 =	vadd.f32 v53, v20;
	v21 =	vadd.f32 v44, v21;
	s23 =	sshll.u32 @!p1 s25, $0x4  }
0x58: {  	v27 =	vmul.f32 v29, v27;
	v23 =	vadd.f32 v45, v23;
	v24 =	vadd.f32 v52, v24;
	s24 =	sadd.s32 @!p1 $0xA000, s24;
	s25 =	simm.s32 @!p1 $0x0;
	s23 =	sadd.s32 @!p1 s3, s23  }
0x59: {  	v63 =	vmul.f32 v34, v28;
	v11 =	vadd.f32 v56, v11;
	v13 =	vadd.f32 v54, v13;
	[tilespmem:s24], [sflag:s22] =	stream.linear.gather @!p1 [hbm4b:s23+s25], $0x5000, $0x38;
	[tilespmem:$0x14200] =	vst v63  }
0x5a: {  	v5 =	vmul.f32 v5, v36;
	v15 =	vadd.f32 v57, v15;
	v16 =	vadd.f32 v58, v16;
	p1 =	sne.s32 s21, $0x1D  }
.Ltmp1:
0x5b: {  	v6 =	vmul.f32 v34, v33;
	v8 =	vadd.f32 v61, v8;
	v9 =	vadd.f32 v62, v9;
	(pc) =	sbr.rel @p1 .LBB2_2-.Ltmp1, $4  }
0x5c: {  	v2 =	vadd.f32 v63, v2;
	v0 =	vadd.f32 v27, v0;
	v60 =	vmul.f32 v29, v4  }
0x5d: {  	v3 =	vadd.f32 v5, v3;
	v59 =	vmul.f32 v34, v4;
	v4 =	vmul.f32 v4, v36  }
0x5e: {  	v1 =	vadd.f32 v6, v1;
	v14 =	vadd.f32 v60, v14  }
0x5f: {  	p0 =	por !p0, !p0;
	v7 =	vadd.f32 v59, v7;
	v26 =	vadd.f32 v4, v26  }
0x60: {  	[tilespmem:$0x14000] =	vst v10  }
0x61: {  	[tilespmem:$0x14010] =	vst v20  }
0x62: {  	[tilespmem:$0x14020] =	vst v23  }
0x63: {  	[tilespmem:$0x14030] =	vst v11  }
0x64: {  	[tilespmem:$0x14040] =	vst v3  }
0x65: {  	[tilespmem:$0x14050] =	vst v15  }
0x66: {  	[tilespmem:$0x14070] =	vst v9  }
0x67: {  	[tilespmem:$0x14080] =	vst v17  }
0x68: {  	[tilespmem:$0x14090] =	vst v1  }
0x69: {  	[tilespmem:$0x140A0] =	vst v19  }
0x6a: {  	[tilespmem:$0x140B0] =	vst v2  }
0x6b: {  	[tilespmem:$0x140C0] =	vst v16  }
0x6c: {  	[tilespmem:$0x140D0] =	vst v13  }
0x6d: {  	[tilespmem:$0x140F0] =	vst v8  }
0x6e: {  	[tilespmem:$0x14100] =	vst v18  }
0x6f: {  	[tilespmem:$0x14110] =	vst v25  }
0x70: {  	[tilespmem:$0x14120] =	vst v12  }
0x71: {  	[tilespmem:$0x14130] =	vst v21  }
0x72: {  	[tilespmem:$0x14140] =	vst v22  }
0x73: {  	[tilespmem:$0x14150] =	vst v24  }
0x74: {  	[tilespmem:$0x14160] =	vst v14  }
0x75: {  	[tilespmem:$0x14170] =	vst v0  }
0x76: {  	s20 =	sadd.s32 $0x1, s20;
	[tilespmem:$0x14060] =	vst v26  }
0x77: {  	[tilespmem:$0x140E0] =	vst v7;
	p0 =	sne.s32 s20, s10  }
0x78: {  	[hbm4b:s9+s16] =	stream.strided.scatter [tilespmem:s18], [sflag:$0x5], $0x0, s17, s16, $0x38;
	[tilespmem:$0x14200] =	vst v63  }
.Ltmp2:
0x79: {  	_ = 	snop;
	(pc) =	sbr.rel @p0 .LBB2_1-.Ltmp2, $4  }
0x7a: {  	[hbm4b:s9+s2] =	stream.linear.scatter [tilespmem:s18], [sflag:$0x5], $0x180, $0x38;
	[tilespmem:$0x14200] =	vst v63  }
0x7b: {  	_ =	swait.ge [sflag:s19], $0x180  }
0x7c: {  	[sflag:s19] =	ssyncset.done $0x0  }
0x7d: {  	[sflag:s19] =	ssyncadd.s32 $0xFFFFFE80  }
0x7e: {  	_ =	sfence.sel $0x180000  }
0x7f: {  	[bflag:$0x0] =	sbarrier.arrive $0xFFFF  }
0x80: {  	p0 =	sne.s32 s1, $0x0;
	_ =	strace $0x90000047  }
0x81: {  	s0 =	sadd.s32 @!p0 $0x100000, s0;
	[bflag:$0x2] =	sbarrier.arrive $0xFFFF  }
0x82: {  	[sflag:s0] =	ssyncadd.tile.s32 @!p0 $0x1;
	_ =	shalt  }
.Lfunc_end2:
_tile_overlayer_lowered:
.L_overlay_start_2:
0x83: {  	(tag) =	ssettag $0x2  }
0x84: {  	s0 =	rddreg [dreg:$0x0];
	s2 =	stileid.u32  }
0x85: {  	s1 =	rddreg [dreg:$0x1];
	p0 =	sne.s32 s2, $0x0  }
0x86: {  	s3 =	rddreg [dreg:$0x2];
	[bflag:$0x3] =	sbarrier.arrive $0xFFFF;
	s2 =	simm.s32 @!p0 $0x1C05  }
0x87: {  	[timem:s3], [sflag:s2] =	dma.local @!p0 [hbm:s0], s1  }
0x88: {  	s0 =	simm.s32 @!p0 $0x5  }
0x89: {  	_ =	swait.ge @!p0 [sflag:s0], s1  }
0x8a: {  	s1 =	ssub.s32 @!p0 $0x0, s1;
	[sflag:s0] =	ssyncset.done @!p0 $0x0  }
0x8b: {  	[sflag:s0] =	ssyncadd.s32 @!p0 s1  }
0x8c: {  	[bflag:$0x3] =	sbarrier.arrive $0xFFFF  }
0x8d: {  	_ =	shalt  }

</sc_bundles>
